<compile_context>
chip_gen: v7x
topology: tpu7x:2x2x1
jax: 0.10.2.dev20260603
libtpu: 0.0.44.dev20260713+nightly
codegen_flags: <defaults>
</compile_context>

<pallas_src>
import functools

import jax
import jax.numpy as jnp
from jax import lax
from jax.experimental import pallas as pl
from jax.experimental.pallas import tpu as pltpu
from jax.experimental.pallas import tpu_sc as plsc

B, S, D = 4, 2048, 1024
N = 512
WD = 128
OUT_D = 2 * D + WD
G = B * N
NC, NS, L = 2, 16, 16
NW = NC * NS
SPW = G // NW
CH = 16
NCHUNK = SPW // CH
K = 3

_mesh = plsc.VectorSubcoreMesh(core_axis_name="c", subcore_axis_name="s")


@functools.partial(
    pl.kernel,
    mesh=_mesh,
    out_type=jax.ShapeDtypeStruct((G, OUT_D), jnp.float32),
    scratch_types=(
        [
            pltpu.VMEM((SPW * 2,), jnp.int32),
            pltpu.VMEM((NCHUNK, CH), jnp.int32),
            pltpu.VMEM((NCHUNK, CH), jnp.int32),
            pltpu.VMEM((NCHUNK, CH), jnp.int32),
        ]
        + [pltpu.VMEM((CH, OUT_D), jnp.float32) for _ in range(K)]
        + [pltpu.SemaphoreType.DMA for _ in range(4 * K)]
    ),
)
def _span_extract(seq_hbm, spans_hbm, wtab_hbm, out_hbm,
                  spans_v, sidx_v, eidx_v, widx_v, *bufs):
    orow = bufs[:K]
    gsem = [bufs[K + 3 * k:K + 3 * k + 3] for k in range(K)]
    wsem = bufs[4 * K:5 * K]
    wid = lax.axis_index("s") * NC + lax.axis_index("c")
    base = wid * SPW
    boff = (base // N) * S
    pltpu.sync_copy(spans_hbm.at[pl.ds(base * 2, SPW * 2)], spans_v)
    lane = lax.iota(jnp.int32, L)
    duo = (2 * lane) & (L - 1)
    half = lane < (L // 2)

    def _pick(v, idx):
        return lax.gather(
            v, idx[:, None],
            dimension_numbers=lax.GatherDimensionNumbers(
                offset_dims=(), collapsed_slice_dims=(0,),
                start_index_map=(0,)),
            slice_sizes=(1,),
            mode=lax.GatherScatterMode.PROMISE_IN_BOUNDS)

    for c in range(NCHUNK):
        a = spans_v[pl.ds(c * 2 * L, L)]
        b = spans_v[pl.ds(c * 2 * L + L, L)]
        s = jnp.where(half, _pick(a, duo), _pick(b, duo))
        e = jnp.where(half, _pick(a, duo + 1), _pick(b, duo + 1))
        sidx_v[c] = s + boff
        eidx_v[c] = e + boff
        widx_v[c] = e - s

    gh = [None] * NCHUNK
    wh = [[] for _ in range(K)]
    cols = ((0, D), (D, D), (2 * D, WD))

    def fire(c):
        k = c % K
        for h in wh[k]:
            h.wait()
        wh[k] = []
        gh[c] = tuple(
            pltpu.async_copy(src, orow[k].at[:, pl.ds(lo, w)], gsem[k][i])
            for i, ((lo, w), src) in enumerate(zip(
                cols,
                (seq_hbm.at[sidx_v.at[c]], seq_hbm.at[eidx_v.at[c]],
                 wtab_hbm.at[widx_v.at[c]]))))

    for c in range(min(K, NCHUNK)):
        fire(c)
    for c in range(NCHUNK):
        k = c % K
        rows = pl.ds(base + c * CH, CH)
        for i, (lo, w) in enumerate(cols):
            gh[c][i].wait()
            wh[k].append(pltpu.async_copy(
                orow[k].at[:, pl.ds(lo, w)],
                out_hbm.at[rows, pl.ds(lo, w)], wsem[k]))
        if c + K < NCHUNK:
            fire(c + K)
    for k in range(K):
        for h in wh[k]:
            h.wait()


def kernel(sequence_tensor, span_indices, width_table):
    seq_flat = sequence_tensor.reshape(B * S, D)
    spans_flat = span_indices.astype(jnp.int32).reshape(G * 2)
    out = _span_extract(seq_flat, spans_flat, width_table)
    return out.reshape(B, N, OUT_D)

# --- scband reference (transcript-rebuilt; emitter-appended) ---
"""Pipeline reference for scband-span-extractor-28604482191793 (READ-ONLY COPY).

The authoritative reference and input builder live on the scoring server;
editing this copy changes nothing except your own understanding.
"""

import jax, jax.numpy as jnp
import numpy as np


def batched_index_select(target, indices):
    # target: [B, S, D], indices: [B, N] -> [B, N, D]
    return jnp.take_along_axis(target, indices[..., None], axis=1)


def setup_inputs(seed: int = 0) -> dict:
    key = jax.random.key(seed)
    k1, k2, k3 = jax.random.split(key, 3)
    sequence_tensor = jax.random.normal(k1, (4, 2048, 1024), dtype=jnp.float32)
    # sorted along last axis so span_end >= span_start and width >= 0
    span_indices = jnp.sort(
        jax.random.randint(k2, (4, 512, 2), 0, 2048, dtype=jnp.int64), axis=-1
    )
    # learned width embedding table: [num_width_embeddings=2048, span_width_embedding_dim=128]
    width_table = jax.random.normal(k3, (2048, 128), dtype=jnp.float32) * 0.02
    return {
        "sequence_tensor": sequence_tensor,
        "span_indices": span_indices,
        "width_table": width_table,
    }


def reference(sequence_tensor, span_indices, width_table):
    span_starts = span_indices[..., 0]
    span_ends = span_indices[..., 1]
    start_embeddings = batched_index_select(sequence_tensor, span_starts)
    end_embeddings = batched_index_select(sequence_tensor, span_ends)
    widths = span_ends - span_starts
    span_width_embeddings = jnp.take(width_table, widths, axis=0)
    return jnp.concatenate(
        [start_embeddings, end_embeddings, span_width_embeddings], axis=-1
    )

if __name__ == "__main__":
    import jax
    _d = setup_inputs()
    print(jax.jit(kernel)(*tuple(_d.values())))

</pallas_src>

<mosaic_0001>
#map = affine_map<(d0, d1) -> (0, 0)>
#map1 = affine_map<(d0, d1) -> (0)>
module attributes {stable_mosaic.version = 14 : i64} {
  func.func @_span_extract(%arg0: i32, %arg1: i32, %arg2: memref<8192x1024xf32, #tpu.memory_space<hbm>>, %arg3: memref<4096xi32, #tpu.memory_space<hbm>>, %arg4: memref<2048x128xf32, #tpu.memory_space<hbm>>, %arg5: memref<2048x2176xf32, #tpu.memory_space<hbm>>, %arg6: memref<128xi32, #tpu.memory_space<vmem>>, %arg7: memref<4x16xi32, #tpu.memory_space<vmem>>, %arg8: memref<4x16xi32, #tpu.memory_space<vmem>>, %arg9: memref<4x16xi32, #tpu.memory_space<vmem>>, %arg10: memref<16x2176xf32, #tpu.memory_space<vmem>>, %arg11: memref<16x2176xf32, #tpu.memory_space<vmem>>, %arg12: memref<16x2176xf32, #tpu.memory_space<vmem>>, %arg13: memref<!tpu.dma_semaphore, #tpu.memory_space<semaphore_mem>>, %arg14: memref<!tpu.dma_semaphore, #tpu.memory_space<semaphore_mem>>, %arg15: memref<!tpu.dma_semaphore, #tpu.memory_space<semaphore_mem>>, %arg16: memref<!tpu.dma_semaphore, #tpu.memory_space<semaphore_mem>>, %arg17: memref<!tpu.dma_semaphore, #tpu.memory_space<semaphore_mem>>, %arg18: memref<!tpu.dma_semaphore, #tpu.memory_space<semaphore_mem>>, %arg19: memref<!tpu.dma_semaphore, #tpu.memory_space<semaphore_mem>>, %arg20: memref<!tpu.dma_semaphore, #tpu.memory_space<semaphore_mem>>, %arg21: memref<!tpu.dma_semaphore, #tpu.memory_space<semaphore_mem>>, %arg22: memref<!tpu.dma_semaphore, #tpu.memory_space<semaphore_mem>>, %arg23: memref<!tpu.dma_semaphore, #tpu.memory_space<semaphore_mem>>, %arg24: memref<!tpu.dma_semaphore, #tpu.memory_space<semaphore_mem>>) attributes {dimension_semantics = [#tpu.dimension_semantics<core_parallel>, #tpu.dimension_semantics<subcore_parallel>], iteration_bounds = array<i64: 2, 16>, scalar_prefetch = 0 : i64, scratch_operands = 19 : i64, tpu.core_type = #tpu.core_type<sc_vector_subcore>, window_params = [{transform_indices = #map}, {transform_indices = #map1}, {transform_indices = #map}, {transform_indices = #map}]} {
    %mul3A = arith.constant 2 : i32
    %mul3A_0 = arith.muli %arg1, %mul3A : i32
    %add3A = arith.addi %mul3A_0, %arg0 : i32
    %mul3A_1 = arith.constant 64 : i32
    %mul3A_2 = arith.muli %add3A, %mul3A_1 : i32
    %jit3A = arith.constant 512 : i32
    %div3A = arith.divsi %mul3A_2, %jit3A : i32
    %sign3A = arith.constant 0 : i32
    %sign3A_3 = arith.cmpi sgt, %mul3A_2, %sign3A : i32
    %sign3A_4 = arith.extui %sign3A_3 : i1 to i32
    %sign3A_5 = arith.constant 0 : i32
    %sign3A_6 = arith.cmpi slt, %mul3A_2, %sign3A_5 : i32
    %sign3A_7 = arith.extui %sign3A_6 : i1 to i32
    %sign3A_8 = arith.subi %sign3A_4, %sign3A_7 : i32
    %sign3A_9 = arith.constant 0 : i32
    %sign3A_10 = arith.cmpi sgt, %jit3A, %sign3A_9 : i32
    %sign3A_11 = arith.extui %sign3A_10 : i1 to i32
    %sign3A_12 = arith.constant 0 : i32
    %sign3A_13 = arith.cmpi slt, %jit3A, %sign3A_12 : i32
    %sign3A_14 = arith.extui %sign3A_13 : i1 to i32
    %sign3A_15 = arith.subi %sign3A_11, %sign3A_14 : i32
    %ne3A = arith.cmpi ne, %sign3A_8, %sign3A_15 : i32
    %rem3A = arith.remsi %mul3A_2, %jit3A : i32
    %ne3A_16 = arith.constant 0 : i32
    %ne3A_17 = arith.cmpi ne, %rem3A, %ne3A_16 : i32
    %and3A = arith.andi %ne3A, %ne3A_17 : i1
    %sub3A = arith.constant 1 : i32
    %sub3A_18 = arith.subi %div3A, %sub3A : i32
    %select_n3A = arith.select %and3A, %sub3A_18, %div3A : i32
    %mul3A_19 = arith.constant 2048 : i32
    %mul3A_20 = arith.muli %select_n3A, %mul3A_19 : i32
    %mul3A_21 = arith.constant 2 : i32
    %mul3A_22 = arith.muli %mul3A_2, %mul3A_21 : i32
    "tpu.region"() ({
      %run_scoped3A = tpu.sem_alloc : memref<!tpu.dma_semaphore, #tpu.memory_space<semaphore_mem>>
      %dma_start3A_709 = tpu.memref_slice %arg3[%mul3A_22] : memref<4096xi32, #tpu.memory_space<hbm>> -> memref<128xi32, #tpu.memory_space<hbm>>
      %dma_start3A_710 = tpu.memref_slice %arg3[%mul3A_22] : memref<4096xi32, #tpu.memory_space<hbm>> -> memref<128xi32, #tpu.memory_space<hbm>>
      tpu.enqueue_dma source(%dma_start3A_710 : memref<128xi32, #tpu.memory_space<hbm>>) target(%arg6 : memref<128xi32, #tpu.memory_space<vmem>>) target_semaphore(%run_scoped3A : memref<!tpu.dma_semaphore, #tpu.memory_space<semaphore_mem>>)
      %dma_wait3A_711 = tpu.memref_slice %arg3[%mul3A_22] : memref<4096xi32, #tpu.memory_space<hbm>> -> memref<128xi32, #tpu.memory_space<hbm>>
      %dma_wait3A_712 = tpu.memref_slice %arg3[%mul3A_22] : memref<4096xi32, #tpu.memory_space<hbm>> -> memref<128xi32, #tpu.memory_space<hbm>>
      tpu.wait_dma2 semaphore(%run_scoped3A : memref<!tpu.dma_semaphore, #tpu.memory_space<semaphore_mem>>) src(%dma_wait3A_712 : memref<128xi32, #tpu.memory_space<hbm>>) dst(%arg6 : memref<128xi32, #tpu.memory_space<vmem>>)
      tpu.yield
    }) : () -> ()
    %iota3A = tpu.iota {dimensions = array<i32: 0>} : vector<16xi32>
    %mul3A_23 = arith.constant 2 : i32
    %mul3A_24 = vector.broadcast %mul3A_23 : i32 to vector<16xi32>
    %mul3A_25 = arith.muli %mul3A_24, %iota3A : vector<16xi32>
    %and3A_26 = arith.constant 15 : i32
    %and3A_27 = vector.broadcast %and3A_26 : i32 to vector<16xi32>
    %and3A_28 = arith.andi %mul3A_25, %and3A_27 : vector<16xi32>
    %lt3A = arith.constant 8 : i32
    %lt3A_29 = vector.broadcast %lt3A : i32 to vector<16xi32>
    %lt3A_30 = arith.cmpi slt, %iota3A, %lt3A_29 : vector<16xi32>
    %get3A = arith.constant 0 : index
    %get3A_31 = tpu.vector_load %arg6[%get3A] {strides = array<i32>} : memref<128xi32, #tpu.memory_space<vmem>>, vector<16xi32>,
    %get3A_32 = vector.shape_cast %get3A_31 : vector<16xi32> to vector<16xi32>
    %get3A_33 = arith.constant 16 : index
    %get3A_34 = tpu.vector_load %arg6[%get3A_33] {strides = array<i32>} : memref<128xi32, #tpu.memory_space<vmem>>, vector<16xi32>,
    %get3A_35 = vector.shape_cast %get3A_34 : vector<16xi32> to vector<16xi32>
    %broadcast_in_dim3A = vector.shape_cast %and3A_28 : vector<16xi32> to vector<16x1xi32>
    %gather3A = vector.shape_cast %broadcast_in_dim3A : vector<16x1xi32> to vector<16xi32>
    %gather3A_36 = tpu.dynamic_gather %get3A_32[%gather3A] in [0] : vector<16xi32>, vector<16xi32> -> vector<16xi32>
    %broadcast_in_dim3A_37 = vector.shape_cast %and3A_28 : vector<16xi32> to vector<16x1xi32>
    %gather3A_38 = vector.shape_cast %broadcast_in_dim3A_37 : vector<16x1xi32> to vector<16xi32>
    %gather3A_39 = tpu.dynamic_gather %get3A_35[%gather3A_38] in [0] : vector<16xi32>, vector<16xi32> -> vector<16xi32>
    %select_n3A_40 = arith.select %lt3A_30, %gather3A_36, %gather3A_39 : vector<16xi1>, vector<16xi32>
    %add3A_41 = arith.constant 1 : i32
    %add3A_42 = vector.broadcast %add3A_41 : i32 to vector<16xi32>
    %add3A_43 = arith.addi %and3A_28, %add3A_42 : vector<16xi32>
    %broadcast_in_dim3A_44 = vector.shape_cast %add3A_43 : vector<16xi32> to vector<16x1xi32>
    %gather3A_45 = vector.shape_cast %broadcast_in_dim3A_44 : vector<16x1xi32> to vector<16xi32>
    %gather3A_46 = tpu.dynamic_gather %get3A_32[%gather3A_45] in [0] : vector<16xi32>, vector<16xi32> -> vector<16xi32>
    %add3A_47 = arith.constant 1 : i32
    %add3A_48 = vector.broadcast %add3A_47 : i32 to vector<16xi32>
    %add3A_49 = arith.addi %and3A_28, %add3A_48 : vector<16xi32>
    %broadcast_in_dim3A_50 = vector.shape_cast %add3A_49 : vector<16xi32> to vector<16x1xi32>
    %gather3A_51 = vector.shape_cast %broadcast_in_dim3A_50 : vector<16x1xi32> to vector<16xi32>
    %gather3A_52 = tpu.dynamic_gather %get3A_35[%gather3A_51] in [0] : vector<16xi32>, vector<16xi32> -> vector<16xi32>
    %select_n3A_53 = arith.select %lt3A_30, %gather3A_46, %gather3A_52 : vector<16xi1>, vector<16xi32>
    %add3A_54 = vector.broadcast %mul3A_20 : i32 to vector<16xi32>
    %add3A_55 = arith.addi %select_n3A_40, %add3A_54 : vector<16xi32>
    %swap3A = arith.constant 0 : i32
    %swap3A_56 = arith.index_cast %swap3A : i32 to index
    %swap3A_57 = arith.constant 0 : index
    %swap3A_58 = tpu.vector_load %arg7[%swap3A_56, %swap3A_57] {strides = array<i32>} : memref<4x16xi32, #tpu.memory_space<vmem>>, vector<1x16xi32>,
    %swap3A_59 = vector.shape_cast %swap3A_58 : vector<1x16xi32> to vector<16xi32>
    %swap3A_60 = vector.shape_cast %add3A_55 : vector<16xi32> to vector<1x16xi32>
    tpu.vector_store %arg7[%swap3A_56, %swap3A_57], %swap3A_60 {strides = array<i32>} : memref<4x16xi32, #tpu.memory_space<vmem>>, vector<1x16xi32>,
    %add3A_61 = vector.broadcast %mul3A_20 : i32 to vector<16xi32>
    %add3A_62 = arith.addi %select_n3A_53, %add3A_61 : vector<16xi32>
    %swap3A_63 = arith.constant 0 : i32
    %swap3A_64 = arith.index_cast %swap3A_63 : i32 to index
    %swap3A_65 = arith.constant 0 : index
    %swap3A_66 = tpu.vector_load %arg8[%swap3A_64, %swap3A_65] {strides = array<i32>} : memref<4x16xi32, #tpu.memory_space<vmem>>, vector<1x16xi32>,
    %swap3A_67 = vector.shape_cast %swap3A_66 : vector<1x16xi32> to vector<16xi32>
    %swap3A_68 = vector.shape_cast %add3A_62 : vector<16xi32> to vector<1x16xi32>
    tpu.vector_store %arg8[%swap3A_64, %swap3A_65], %swap3A_68 {strides = array<i32>} : memref<4x16xi32, #tpu.memory_space<vmem>>, vector<1x16xi32>,
    %sub3A_69 = arith.subi %select_n3A_53, %select_n3A_40 : vector<16xi32>
    %swap3A_70 = arith.constant 0 : i32
    %swap3A_71 = arith.index_cast %swap3A_70 : i32 to index
    %swap3A_72 = arith.constant 0 : index
    %swap3A_73 = tpu.vector_load %arg9[%swap3A_71, %swap3A_72] {strides = array<i32>} : memref<4x16xi32, #tpu.memory_space<vmem>>, vector<1x16xi32>,
    %swap3A_74 = vector.shape_cast %swap3A_73 : vector<1x16xi32> to vector<16xi32>
    %swap3A_75 = vector.shape_cast %sub3A_69 : vector<16xi32> to vector<1x16xi32>
    tpu.vector_store %arg9[%swap3A_71, %swap3A_72], %swap3A_75 {strides = array<i32>} : memref<4x16xi32, #tpu.memory_space<vmem>>, vector<1x16xi32>,
    %get3A_76 = arith.constant 32 : index
    %get3A_77 = tpu.vector_load %arg6[%get3A_76] {strides = array<i32>} : memref<128xi32, #tpu.memory_space<vmem>>, vector<16xi32>,
    %get3A_78 = vector.shape_cast %get3A_77 : vector<16xi32> to vector<16xi32>
    %get3A_79 = arith.constant 48 : index
    %get3A_80 = tpu.vector_load %arg6[%get3A_79] {strides = array<i32>} : memref<128xi32, #tpu.memory_space<vmem>>, vector<16xi32>,
    %get3A_81 = vector.shape_cast %get3A_80 : vector<16xi32> to vector<16xi32>
    %broadcast_in_dim3A_82 = vector.shape_cast %and3A_28 : vector<16xi32> to vector<16x1xi32>
    %gather3A_83 = vector.shape_cast %broadcast_in_dim3A_82 : vector<16x1xi32> to vector<16xi32>
    %gather3A_84 = tpu.dynamic_gather %get3A_78[%gather3A_83] in [0] : vector<16xi32>, vector<16xi32> -> vector<16xi32>
    %broadcast_in_dim3A_85 = vector.shape_cast %and3A_28 : vector<16xi32> to vector<16x1xi32>
    %gather3A_86 = vector.shape_cast %broadcast_in_dim3A_85 : vector<16x1xi32> to vector<16xi32>
    %gather3A_87 = tpu.dynamic_gather %get3A_81[%gather3A_86] in [0] : vector<16xi32>, vector<16xi32> -> vector<16xi32>
    %select_n3A_88 = arith.select %lt3A_30, %gather3A_84, %gather3A_87 : vector<16xi1>, vector<16xi32>
    %add3A_89 = arith.constant 1 : i32
    %add3A_90 = vector.broadcast %add3A_89 : i32 to vector<16xi32>
    %add3A_91 = arith.addi %and3A_28, %add3A_90 : vector<16xi32>
    %broadcast_in_dim3A_92 = vector.shape_cast %add3A_91 : vector<16xi32> to vector<16x1xi32>
    %gather3A_93 = vector.shape_cast %broadcast_in_dim3A_92 : vector<16x1xi32> to vector<16xi32>
    %gather3A_94 = tpu.dynamic_gather %get3A_78[%gather3A_93] in [0] : vector<16xi32>, vector<16xi32> -> vector<16xi32>
    %add3A_95 = arith.constant 1 : i32
    %add3A_96 = vector.broadcast %add3A_95 : i32 to vector<16xi32>
    %add3A_97 = arith.addi %and3A_28, %add3A_96 : vector<16xi32>
    %broadcast_in_dim3A_98 = vector.shape_cast %add3A_97 : vector<16xi32> to vector<16x1xi32>
    %gather3A_99 = vector.shape_cast %broadcast_in_dim3A_98 : vector<16x1xi32> to vector<16xi32>
    %gather3A_100 = tpu.dynamic_gather %get3A_81[%gather3A_99] in [0] : vector<16xi32>, vector<16xi32> -> vector<16xi32>
    %select_n3A_101 = arith.select %lt3A_30, %gather3A_94, %gather3A_100 : vector<16xi1>, vector<16xi32>
    %add3A_102 = vector.broadcast %mul3A_20 : i32 to vector<16xi32>
    %add3A_103 = arith.addi %select_n3A_88, %add3A_102 : vector<16xi32>
    %swap3A_104 = arith.constant 1 : i32
    %swap3A_105 = arith.index_cast %swap3A_104 : i32 to index
    %swap3A_106 = arith.constant 0 : index
    %swap3A_107 = tpu.vector_load %arg7[%swap3A_105, %swap3A_106] {strides = array<i32>} : memref<4x16xi32, #tpu.memory_space<vmem>>, vector<1x16xi32>,
    %swap3A_108 = vector.shape_cast %swap3A_107 : vector<1x16xi32> to vector<16xi32>
    %swap3A_109 = vector.shape_cast %add3A_103 : vector<16xi32> to vector<1x16xi32>
    tpu.vector_store %arg7[%swap3A_105, %swap3A_106], %swap3A_109 {strides = array<i32>} : memref<4x16xi32, #tpu.memory_space<vmem>>, vector<1x16xi32>,
    %add3A_110 = vector.broadcast %mul3A_20 : i32 to vector<16xi32>
    %add3A_111 = arith.addi %select_n3A_101, %add3A_110 : vector<16xi32>
    %swap3A_112 = arith.constant 1 : i32
    %swap3A_113 = arith.index_cast %swap3A_112 : i32 to index
    %swap3A_114 = arith.constant 0 : index
    %swap3A_115 = tpu.vector_load %arg8[%swap3A_113, %swap3A_114] {strides = array<i32>} : memref<4x16xi32, #tpu.memory_space<vmem>>, vector<1x16xi32>,
    %swap3A_116 = vector.shape_cast %swap3A_115 : vector<1x16xi32> to vector<16xi32>
    %swap3A_117 = vector.shape_cast %add3A_111 : vector<16xi32> to vector<1x16xi32>
    tpu.vector_store %arg8[%swap3A_113, %swap3A_114], %swap3A_117 {strides = array<i32>} : memref<4x16xi32, #tpu.memory_space<vmem>>, vector<1x16xi32>,
    %sub3A_118 = arith.subi %select_n3A_101, %select_n3A_88 : vector<16xi32>
    %swap3A_119 = arith.constant 1 : i32
    %swap3A_120 = arith.index_cast %swap3A_119 : i32 to index
    %swap3A_121 = arith.constant 0 : index
    %swap3A_122 = tpu.vector_load %arg9[%swap3A_120, %swap3A_121] {strides = array<i32>} : memref<4x16xi32, #tpu.memory_space<vmem>>, vector<1x16xi32>,
    %swap3A_123 = vector.shape_cast %swap3A_122 : vector<1x16xi32> to vector<16xi32>
    %swap3A_124 = vector.shape_cast %sub3A_118 : vector<16xi32> to vector<1x16xi32>
    tpu.vector_store %arg9[%swap3A_120, %swap3A_121], %swap3A_124 {strides = array<i32>} : memref<4x16xi32, #tpu.memory_space<vmem>>, vector<1x16xi32>,
    %get3A_125 = arith.constant 64 : index
    %get3A_126 = tpu.vector_load %arg6[%get3A_125] {strides = array<i32>} : memref<128xi32, #tpu.memory_space<vmem>>, vector<16xi32>,
    %get3A_127 = vector.shape_cast %get3A_126 : vector<16xi32> to vector<16xi32>
    %get3A_128 = arith.constant 80 : index
    %get3A_129 = tpu.vector_load %arg6[%get3A_128] {strides = array<i32>} : memref<128xi32, #tpu.memory_space<vmem>>, vector<16xi32>,
    %get3A_130 = vector.shape_cast %get3A_129 : vector<16xi32> to vector<16xi32>
    %broadcast_in_dim3A_131 = vector.shape_cast %and3A_28 : vector<16xi32> to vector<16x1xi32>
    %gather3A_132 = vector.shape_cast %broadcast_in_dim3A_131 : vector<16x1xi32> to vector<16xi32>
    %gather3A_133 = tpu.dynamic_gather %get3A_127[%gather3A_132] in [0] : vector<16xi32>, vector<16xi32> -> vector<16xi32>
    %broadcast_in_dim3A_134 = vector.shape_cast %and3A_28 : vector<16xi32> to vector<16x1xi32>
    %gather3A_135 = vector.shape_cast %broadcast_in_dim3A_134 : vector<16x1xi32> to vector<16xi32>
    %gather3A_136 = tpu.dynamic_gather %get3A_130[%gather3A_135] in [0] : vector<16xi32>, vector<16xi32> -> vector<16xi32>
    %select_n3A_137 = arith.select %lt3A_30, %gather3A_133, %gather3A_136 : vector<16xi1>, vector<16xi32>
    %add3A_138 = arith.constant 1 : i32
    %add3A_139 = vector.broadcast %add3A_138 : i32 to vector<16xi32>
    %add3A_140 = arith.addi %and3A_28, %add3A_139 : vector<16xi32>
    %broadcast_in_dim3A_141 = vector.shape_cast %add3A_140 : vector<16xi32> to vector<16x1xi32>
    %gather3A_142 = vector.shape_cast %broadcast_in_dim3A_141 : vector<16x1xi32> to vector<16xi32>
    %gather3A_143 = tpu.dynamic_gather %get3A_127[%gather3A_142] in [0] : vector<16xi32>, vector<16xi32> -> vector<16xi32>
    %add3A_144 = arith.constant 1 : i32
    %add3A_145 = vector.broadcast %add3A_144 : i32 to vector<16xi32>
    %add3A_146 = arith.addi %and3A_28, %add3A_145 : vector<16xi32>
    %broadcast_in_dim3A_147 = vector.shape_cast %add3A_146 : vector<16xi32> to vector<16x1xi32>
    %gather3A_148 = vector.shape_cast %broadcast_in_dim3A_147 : vector<16x1xi32> to vector<16xi32>
    %gather3A_149 = tpu.dynamic_gather %get3A_130[%gather3A_148] in [0] : vector<16xi32>, vector<16xi32> -> vector<16xi32>
    %select_n3A_150 = arith.select %lt3A_30, %gather3A_143, %gather3A_149 : vector<16xi1>, vector<16xi32>
    %add3A_151 = vector.broadcast %mul3A_20 : i32 to vector<16xi32>
    %add3A_152 = arith.addi %select_n3A_137, %add3A_151 : vector<16xi32>
    %swap3A_153 = arith.constant 2 : i32
    %swap3A_154 = arith.index_cast %swap3A_153 : i32 to index
    %swap3A_155 = arith.constant 0 : index
    %swap3A_156 = tpu.vector_load %arg7[%swap3A_154, %swap3A_155] {strides = array<i32>} : memref<4x16xi32, #tpu.memory_space<vmem>>, vector<1x16xi32>,
    %swap3A_157 = vector.shape_cast %swap3A_156 : vector<1x16xi32> to vector<16xi32>
    %swap3A_158 = vector.shape_cast %add3A_152 : vector<16xi32> to vector<1x16xi32>
    tpu.vector_store %arg7[%swap3A_154, %swap3A_155], %swap3A_158 {strides = array<i32>} : memref<4x16xi32, #tpu.memory_space<vmem>>, vector<1x16xi32>,
    %add3A_159 = vector.broadcast %mul3A_20 : i32 to vector<16xi32>
    %add3A_160 = arith.addi %select_n3A_150, %add3A_159 : vector<16xi32>
    %swap3A_161 = arith.constant 2 : i32
    %swap3A_162 = arith.index_cast %swap3A_161 : i32 to index
    %swap3A_163 = arith.constant 0 : index
    %swap3A_164 = tpu.vector_load %arg8[%swap3A_162, %swap3A_163] {strides = array<i32>} : memref<4x16xi32, #tpu.memory_space<vmem>>, vector<1x16xi32>,
    %swap3A_165 = vector.shape_cast %swap3A_164 : vector<1x16xi32> to vector<16xi32>
    %swap3A_166 = vector.shape_cast %add3A_160 : vector<16xi32> to vector<1x16xi32>
    tpu.vector_store %arg8[%swap3A_162, %swap3A_163], %swap3A_166 {strides = array<i32>} : memref<4x16xi32, #tpu.memory_space<vmem>>, vector<1x16xi32>,
    %sub3A_167 = arith.subi %select_n3A_150, %select_n3A_137 : vector<16xi32>
    %swap3A_168 = arith.constant 2 : i32
    %swap3A_169 = arith.index_cast %swap3A_168 : i32 to index
    %swap3A_170 = arith.constant 0 : index
    %swap3A_171 = tpu.vector_load %arg9[%swap3A_169, %swap3A_170] {strides = array<i32>} : memref<4x16xi32, #tpu.memory_space<vmem>>, vector<1x16xi32>,
    %swap3A_172 = vector.shape_cast %swap3A_171 : vector<1x16xi32> to vector<16xi32>
    %swap3A_173 = vector.shape_cast %sub3A_167 : vector<16xi32> to vector<1x16xi32>
    tpu.vector_store %arg9[%swap3A_169, %swap3A_170], %swap3A_173 {strides = array<i32>} : memref<4x16xi32, #tpu.memory_space<vmem>>, vector<1x16xi32>,
    %get3A_174 = arith.constant 96 : index
    %get3A_175 = tpu.vector_load %arg6[%get3A_174] {strides = array<i32>} : memref<128xi32, #tpu.memory_space<vmem>>, vector<16xi32>,
    %get3A_176 = vector.shape_cast %get3A_175 : vector<16xi32> to vector<16xi32>
    %get3A_177 = arith.constant 112 : index
    %get3A_178 = tpu.vector_load %arg6[%get3A_177] {strides = array<i32>} : memref<128xi32, #tpu.memory_space<vmem>>, vector<16xi32>,
    %get3A_179 = vector.shape_cast %get3A_178 : vector<16xi32> to vector<16xi32>
    %broadcast_in_dim3A_180 = vector.shape_cast %and3A_28 : vector<16xi32> to vector<16x1xi32>
    %gather3A_181 = vector.shape_cast %broadcast_in_dim3A_180 : vector<16x1xi32> to vector<16xi32>
    %gather3A_182 = tpu.dynamic_gather %get3A_176[%gather3A_181] in [0] : vector<16xi32>, vector<16xi32> -> vector<16xi32>
    %broadcast_in_dim3A_183 = vector.shape_cast %and3A_28 : vector<16xi32> to vector<16x1xi32>
    %gather3A_184 = vector.shape_cast %broadcast_in_dim3A_183 : vector<16x1xi32> to vector<16xi32>
    %gather3A_185 = tpu.dynamic_gather %get3A_179[%gather3A_184] in [0] : vector<16xi32>, vector<16xi32> -> vector<16xi32>
    %select_n3A_186 = arith.select %lt3A_30, %gather3A_182, %gather3A_185 : vector<16xi1>, vector<16xi32>
    %add3A_187 = arith.constant 1 : i32
    %add3A_188 = vector.broadcast %add3A_187 : i32 to vector<16xi32>
    %add3A_189 = arith.addi %and3A_28, %add3A_188 : vector<16xi32>
    %broadcast_in_dim3A_190 = vector.shape_cast %add3A_189 : vector<16xi32> to vector<16x1xi32>
    %gather3A_191 = vector.shape_cast %broadcast_in_dim3A_190 : vector<16x1xi32> to vector<16xi32>
    %gather3A_192 = tpu.dynamic_gather %get3A_176[%gather3A_191] in [0] : vector<16xi32>, vector<16xi32> -> vector<16xi32>
    %add3A_193 = arith.constant 1 : i32
    %add3A_194 = vector.broadcast %add3A_193 : i32 to vector<16xi32>
    %add3A_195 = arith.addi %and3A_28, %add3A_194 : vector<16xi32>
    %broadcast_in_dim3A_196 = vector.shape_cast %add3A_195 : vector<16xi32> to vector<16x1xi32>
    %gather3A_197 = vector.shape_cast %broadcast_in_dim3A_196 : vector<16x1xi32> to vector<16xi32>
    %gather3A_198 = tpu.dynamic_gather %get3A_179[%gather3A_197] in [0] : vector<16xi32>, vector<16xi32> -> vector<16xi32>
    %select_n3A_199 = arith.select %lt3A_30, %gather3A_192, %gather3A_198 : vector<16xi1>, vector<16xi32>
    %add3A_200 = vector.broadcast %mul3A_20 : i32 to vector<16xi32>
    %add3A_201 = arith.addi %select_n3A_186, %add3A_200 : vector<16xi32>
    %swap3A_202 = arith.constant 3 : i32
    %swap3A_203 = arith.index_cast %swap3A_202 : i32 to index
    %swap3A_204 = arith.constant 0 : index
    %swap3A_205 = tpu.vector_load %arg7[%swap3A_203, %swap3A_204] {strides = array<i32>} : memref<4x16xi32, #tpu.memory_space<vmem>>, vector<1x16xi32>,
    %swap3A_206 = vector.shape_cast %swap3A_205 : vector<1x16xi32> to vector<16xi32>
    %swap3A_207 = vector.shape_cast %add3A_201 : vector<16xi32> to vector<1x16xi32>
    tpu.vector_store %arg7[%swap3A_203, %swap3A_204], %swap3A_207 {strides = array<i32>} : memref<4x16xi32, #tpu.memory_space<vmem>>, vector<1x16xi32>,
    %add3A_208 = vector.broadcast %mul3A_20 : i32 to vector<16xi32>
    %add3A_209 = arith.addi %select_n3A_199, %add3A_208 : vector<16xi32>
    %swap3A_210 = arith.constant 3 : i32
    %swap3A_211 = arith.index_cast %swap3A_210 : i32 to index
    %swap3A_212 = arith.constant 0 : index
    %swap3A_213 = tpu.vector_load %arg8[%swap3A_211, %swap3A_212] {strides = array<i32>} : memref<4x16xi32, #tpu.memory_space<vmem>>, vector<1x16xi32>,
    %swap3A_214 = vector.shape_cast %swap3A_213 : vector<1x16xi32> to vector<16xi32>
    %swap3A_215 = vector.shape_cast %add3A_209 : vector<16xi32> to vector<1x16xi32>
    tpu.vector_store %arg8[%swap3A_211, %swap3A_212], %swap3A_215 {strides = array<i32>} : memref<4x16xi32, #tpu.memory_space<vmem>>, vector<1x16xi32>,
    %sub3A_216 = arith.subi %select_n3A_199, %select_n3A_186 : vector<16xi32>
    %swap3A_217 = arith.constant 3 : i32
    %swap3A_218 = arith.index_cast %swap3A_217 : i32 to index
    %swap3A_219 = arith.constant 0 : index
    %swap3A_220 = tpu.vector_load %arg9[%swap3A_218, %swap3A_219] {strides = array<i32>} : memref<4x16xi32, #tpu.memory_space<vmem>>, vector<1x16xi32>,
    %swap3A_221 = vector.shape_cast %swap3A_220 : vector<1x16xi32> to vector<16xi32>
    %swap3A_222 = vector.shape_cast %sub3A_216 : vector<16xi32> to vector<1x16xi32>
    tpu.vector_store %arg9[%swap3A_218, %swap3A_219], %swap3A_222 {strides = array<i32>} : memref<4x16xi32, #tpu.memory_space<vmem>>, vector<1x16xi32>,
    %dma_start3A = arith.constant 0 : i32
    %dma_start3A_223 = arith.constant 0 : i32
    %dma_start3A_224 = arith.constant 0 : i32
    %dma_start3A_225 = tpu.memref_slice %arg10[%dma_start3A_223, %dma_start3A_224] : memref<16x2176xf32, #tpu.memory_space<vmem>> -> memref<16x1024xf32, #tpu.memory_space<vmem>>
    %dma_start3A_226 = arith.constant 0 : i32
    %dma_start3A_227 = tpu.memref_slice %arg7[%dma_start3A, %dma_start3A_226] : memref<4x16xi32, #tpu.memory_space<vmem>> -> memref<1x16xi32, #tpu.memory_space<vmem>>
    %dma_start3A_228 = tpu.memref_squeeze %dma_start3A_227 : memref<1x16xi32, #tpu.memory_space<vmem>> -> memref<16xi32, #tpu.memory_space<vmem>>
    %dma_start3A_229 = arith.constant 0 : i32
    %dma_start3A_230 = arith.constant 0 : i32
    %dma_start3A_231 = tpu.memref_slice %arg2[%dma_start3A_229, %dma_start3A_230] : memref<8192x1024xf32, #tpu.memory_space<hbm>> -> memref<8192x1024xf32, #tpu.memory_space<hbm>>
    tpu.enqueue_indirect_dma source(%dma_start3A_231 : memref<8192x1024xf32, #tpu.memory_space<hbm>>) target(%dma_start3A_225 : memref<16x1024xf32, #tpu.memory_space<vmem>>) offsets(%dma_start3A_228 : memref<16xi32, #tpu.memory_space<vmem>>) semaphore(%arg13 : memref<!tpu.dma_semaphore, #tpu.memory_space<semaphore_mem>>)
    %dma_start3A_232 = arith.constant 0 : i32
    %dma_start3A_233 = arith.constant 0 : i32
    %dma_start3A_234 = arith.constant 1024 : i32
    %dma_start3A_235 = tpu.memref_slice %arg10[%dma_start3A_233, %dma_start3A_234] : memref<16x2176xf32, #tpu.memory_space<vmem>> -> memref<16x1024xf32, #tpu.memory_space<vmem>>
    %dma_start3A_236 = arith.constant 0 : i32
    %dma_start3A_237 = tpu.memref_slice %arg8[%dma_start3A_232, %dma_start3A_236] : memref<4x16xi32, #tpu.memory_space<vmem>> -> memref<1x16xi32, #tpu.memory_space<vmem>>
    %dma_start3A_238 = tpu.memref_squeeze %dma_start3A_237 : memref<1x16xi32, #tpu.memory_space<vmem>> -> memref<16xi32, #tpu.memory_space<vmem>>
    %dma_start3A_239 = arith.constant 0 : i32
    %dma_start3A_240 = arith.constant 0 : i32
    %dma_start3A_241 = tpu.memref_slice %arg2[%dma_start3A_239, %dma_start3A_240] : memref<8192x1024xf32, #tpu.memory_space<hbm>> -> memref<8192x1024xf32, #tpu.memory_space<hbm>>
    tpu.enqueue_indirect_dma source(%dma_start3A_241 : memref<8192x1024xf32, #tpu.memory_space<hbm>>) target(%dma_start3A_235 : memref<16x1024xf32, #tpu.memory_space<vmem>>) offsets(%dma_start3A_238 : memref<16xi32, #tpu.memory_space<vmem>>) semaphore(%arg14 : memref<!tpu.dma_semaphore, #tpu.memory_space<semaphore_mem>>)
    %dma_start3A_242 = arith.constant 0 : i32
    %dma_start3A_243 = arith.constant 0 : i32
    %dma_start3A_244 = arith.constant 2048 : i32
    %dma_start3A_245 = tpu.memref_slice %arg10[%dma_start3A_243, %dma_start3A_244] : memref<16x2176xf32, #tpu.memory_space<vmem>> -> memref<16x128xf32, #tpu.memory_space<vmem>>
    %dma_start3A_246 = arith.constant 0 : i32
    %dma_start3A_247 = tpu.memref_slice %arg9[%dma_start3A_242, %dma_start3A_246] : memref<4x16xi32, #tpu.memory_space<vmem>> -> memref<1x16xi32, #tpu.memory_space<vmem>>
    %dma_start3A_248 = tpu.memref_squeeze %dma_start3A_247 : memref<1x16xi32, #tpu.memory_space<vmem>> -> memref<16xi32, #tpu.memory_space<vmem>>
    %dma_start3A_249 = arith.constant 0 : i32
    %dma_start3A_250 = arith.constant 0 : i32
    %dma_start3A_251 = tpu.memref_slice %arg4[%dma_start3A_249, %dma_start3A_250] : memref<2048x128xf32, #tpu.memory_space<hbm>> -> memref<2048x128xf32, #tpu.memory_space<hbm>>
    tpu.enqueue_indirect_dma source(%dma_start3A_251 : memref<2048x128xf32, #tpu.memory_space<hbm>>) target(%dma_start3A_245 : memref<16x128xf32, #tpu.memory_space<vmem>>) offsets(%dma_start3A_248 : memref<16xi32, #tpu.memory_space<vmem>>) semaphore(%arg15 : memref<!tpu.dma_semaphore, #tpu.memory_space<semaphore_mem>>)
    %dma_start3A_252 = arith.constant 1 : i32
    %dma_start3A_253 = arith.constant 0 : i32
    %dma_start3A_254 = arith.constant 0 : i32
    %dma_start3A_255 = tpu.memref_slice %arg11[%dma_start3A_253, %dma_start3A_254] : memref<16x2176xf32, #tpu.memory_space<vmem>> -> memref<16x1024xf32, #tpu.memory_space<vmem>>
    %dma_start3A_256 = arith.constant 0 : i32
    %dma_start3A_257 = tpu.memref_slice %arg7[%dma_start3A_252, %dma_start3A_256] : memref<4x16xi32, #tpu.memory_space<vmem>> -> memref<1x16xi32, #tpu.memory_space<vmem>>
    %dma_start3A_258 = tpu.memref_squeeze %dma_start3A_257 : memref<1x16xi32, #tpu.memory_space<vmem>> -> memref<16xi32, #tpu.memory_space<vmem>>
    %dma_start3A_259 = arith.constant 0 : i32
    %dma_start3A_260 = arith.constant 0 : i32
    %dma_start3A_261 = tpu.memref_slice %arg2[%dma_start3A_259, %dma_start3A_260] : memref<8192x1024xf32, #tpu.memory_space<hbm>> -> memref<8192x1024xf32, #tpu.memory_space<hbm>>
    tpu.enqueue_indirect_dma source(%dma_start3A_261 : memref<8192x1024xf32, #tpu.memory_space<hbm>>) target(%dma_start3A_255 : memref<16x1024xf32, #tpu.memory_space<vmem>>) offsets(%dma_start3A_258 : memref<16xi32, #tpu.memory_space<vmem>>) semaphore(%arg16 : memref<!tpu.dma_semaphore, #tpu.memory_space<semaphore_mem>>)
    %dma_start3A_262 = arith.constant 1 : i32
    %dma_start3A_263 = arith.constant 0 : i32
    %dma_start3A_264 = arith.constant 1024 : i32
    %dma_start3A_265 = tpu.memref_slice %arg11[%dma_start3A_263, %dma_start3A_264] : memref<16x2176xf32, #tpu.memory_space<vmem>> -> memref<16x1024xf32, #tpu.memory_space<vmem>>
    %dma_start3A_266 = arith.constant 0 : i32
    %dma_start3A_267 = tpu.memref_slice %arg8[%dma_start3A_262, %dma_start3A_266] : memref<4x16xi32, #tpu.memory_space<vmem>> -> memref<1x16xi32, #tpu.memory_space<vmem>>
    %dma_start3A_268 = tpu.memref_squeeze %dma_start3A_267 : memref<1x16xi32, #tpu.memory_space<vmem>> -> memref<16xi32, #tpu.memory_space<vmem>>
    %dma_start3A_269 = arith.constant 0 : i32
    %dma_start3A_270 = arith.constant 0 : i32
    %dma_start3A_271 = tpu.memref_slice %arg2[%dma_start3A_269, %dma_start3A_270] : memref<8192x1024xf32, #tpu.memory_space<hbm>> -> memref<8192x1024xf32, #tpu.memory_space<hbm>>
    tpu.enqueue_indirect_dma source(%dma_start3A_271 : memref<8192x1024xf32, #tpu.memory_space<hbm>>) target(%dma_start3A_265 : memref<16x1024xf32, #tpu.memory_space<vmem>>) offsets(%dma_start3A_268 : memref<16xi32, #tpu.memory_space<vmem>>) semaphore(%arg17 : memref<!tpu.dma_semaphore, #tpu.memory_space<semaphore_mem>>)
    %dma_start3A_272 = arith.constant 1 : i32
    %dma_start3A_273 = arith.constant 0 : i32
    %dma_start3A_274 = arith.constant 2048 : i32
    %dma_start3A_275 = tpu.memref_slice %arg11[%dma_start3A_273, %dma_start3A_274] : memref<16x2176xf32, #tpu.memory_space<vmem>> -> memref<16x128xf32, #tpu.memory_space<vmem>>
    %dma_start3A_276 = arith.constant 0 : i32
    %dma_start3A_277 = tpu.memref_slice %arg9[%dma_start3A_272, %dma_start3A_276] : memref<4x16xi32, #tpu.memory_space<vmem>> -> memref<1x16xi32, #tpu.memory_space<vmem>>
    %dma_start3A_278 = tpu.memref_squeeze %dma_start3A_277 : memref<1x16xi32, #tpu.memory_space<vmem>> -> memref<16xi32, #tpu.memory_space<vmem>>
    %dma_start3A_279 = arith.constant 0 : i32
    %dma_start3A_280 = arith.constant 0 : i32
    %dma_start3A_281 = tpu.memref_slice %arg4[%dma_start3A_279, %dma_start3A_280] : memref<2048x128xf32, #tpu.memory_space<hbm>> -> memref<2048x128xf32, #tpu.memory_space<hbm>>
    tpu.enqueue_indirect_dma source(%dma_start3A_281 : memref<2048x128xf32, #tpu.memory_space<hbm>>) target(%dma_start3A_275 : memref<16x128xf32, #tpu.memory_space<vmem>>) offsets(%dma_start3A_278 : memref<16xi32, #tpu.memory_space<vmem>>) semaphore(%arg18 : memref<!tpu.dma_semaphore, #tpu.memory_space<semaphore_mem>>)
    %dma_start3A_282 = arith.constant 2 : i32
    %dma_start3A_283 = arith.constant 0 : i32
    %dma_start3A_284 = arith.constant 0 : i32
    %dma_start3A_285 = tpu.memref_slice %arg12[%dma_start3A_283, %dma_start3A_284] : memref<16x2176xf32, #tpu.memory_space<vmem>> -> memref<16x1024xf32, #tpu.memory_space<vmem>>
    %dma_start3A_286 = arith.constant 0 : i32
    %dma_start3A_287 = tpu.memref_slice %arg7[%dma_start3A_282, %dma_start3A_286] : memref<4x16xi32, #tpu.memory_space<vmem>> -> memref<1x16xi32, #tpu.memory_space<vmem>>
    %dma_start3A_288 = tpu.memref_squeeze %dma_start3A_287 : memref<1x16xi32, #tpu.memory_space<vmem>> -> memref<16xi32, #tpu.memory_space<vmem>>
    %dma_start3A_289 = arith.constant 0 : i32
    %dma_start3A_290 = arith.constant 0 : i32
    %dma_start3A_291 = tpu.memref_slice %arg2[%dma_start3A_289, %dma_start3A_290] : memref<8192x1024xf32, #tpu.memory_space<hbm>> -> memref<8192x1024xf32, #tpu.memory_space<hbm>>
    tpu.enqueue_indirect_dma source(%dma_start3A_291 : memref<8192x1024xf32, #tpu.memory_space<hbm>>) target(%dma_start3A_285 : memref<16x1024xf32, #tpu.memory_space<vmem>>) offsets(%dma_start3A_288 : memref<16xi32, #tpu.memory_space<vmem>>) semaphore(%arg19 : memref<!tpu.dma_semaphore, #tpu.memory_space<semaphore_mem>>)
    %dma_start3A_292 = arith.constant 2 : i32
    %dma_start3A_293 = arith.constant 0 : i32
    %dma_start3A_294 = arith.constant 1024 : i32
    %dma_start3A_295 = tpu.memref_slice %arg12[%dma_start3A_293, %dma_start3A_294] : memref<16x2176xf32, #tpu.memory_space<vmem>> -> memref<16x1024xf32, #tpu.memory_space<vmem>>
    %dma_start3A_296 = arith.constant 0 : i32
    %dma_start3A_297 = tpu.memref_slice %arg8[%dma_start3A_292, %dma_start3A_296] : memref<4x16xi32, #tpu.memory_space<vmem>> -> memref<1x16xi32, #tpu.memory_space<vmem>>
    %dma_start3A_298 = tpu.memref_squeeze %dma_start3A_297 : memref<1x16xi32, #tpu.memory_space<vmem>> -> memref<16xi32, #tpu.memory_space<vmem>>
    %dma_start3A_299 = arith.constant 0 : i32
    %dma_start3A_300 = arith.constant 0 : i32
    %dma_start3A_301 = tpu.memref_slice %arg2[%dma_start3A_299, %dma_start3A_300] : memref<8192x1024xf32, #tpu.memory_space<hbm>> -> memref<8192x1024xf32, #tpu.memory_space<hbm>>
    tpu.enqueue_indirect_dma source(%dma_start3A_301 : memref<8192x1024xf32, #tpu.memory_space<hbm>>) target(%dma_start3A_295 : memref<16x1024xf32, #tpu.memory_space<vmem>>) offsets(%dma_start3A_298 : memref<16xi32, #tpu.memory_space<vmem>>) semaphore(%arg20 : memref<!tpu.dma_semaphore, #tpu.memory_space<semaphore_mem>>)
    %dma_start3A_302 = arith.constant 2 : i32
    %dma_start3A_303 = arith.constant 0 : i32
    %dma_start3A_304 = arith.constant 2048 : i32
    %dma_start3A_305 = tpu.memref_slice %arg12[%dma_start3A_303, %dma_start3A_304] : memref<16x2176xf32, #tpu.memory_space<vmem>> -> memref<16x128xf32, #tpu.memory_space<vmem>>
    %dma_start3A_306 = arith.constant 0 : i32
    %dma_start3A_307 = tpu.memref_slice %arg9[%dma_start3A_302, %dma_start3A_306] : memref<4x16xi32, #tpu.memory_space<vmem>> -> memref<1x16xi32, #tpu.memory_space<vmem>>
    %dma_start3A_308 = tpu.memref_squeeze %dma_start3A_307 : memref<1x16xi32, #tpu.memory_space<vmem>> -> memref<16xi32, #tpu.memory_space<vmem>>
    %dma_start3A_309 = arith.constant 0 : i32
    %dma_start3A_310 = arith.constant 0 : i32
    %dma_start3A_311 = tpu.memref_slice %arg4[%dma_start3A_309, %dma_start3A_310] : memref<2048x128xf32, #tpu.memory_space<hbm>> -> memref<2048x128xf32, #tpu.memory_space<hbm>>
    tpu.enqueue_indirect_dma source(%dma_start3A_311 : memref<2048x128xf32, #tpu.memory_space<hbm>>) target(%dma_start3A_305 : memref<16x128xf32, #tpu.memory_space<vmem>>) offsets(%dma_start3A_308 : memref<16xi32, #tpu.memory_space<vmem>>) semaphore(%arg21 : memref<!tpu.dma_semaphore, #tpu.memory_space<semaphore_mem>>)
    %add3A_312 = arith.constant 0 : i32
    %add3A_313 = arith.addi %mul3A_2, %add3A_312 : i32
    %dma_wait3A = arith.constant 0 : i32
    %dma_wait3A_314 = arith.constant 0 : i32
    %dma_wait3A_315 = arith.constant 0 : i32
    %dma_wait3A_316 = tpu.memref_slice %arg10[%dma_wait3A_314, %dma_wait3A_315] : memref<16x2176xf32, #tpu.memory_space<vmem>> -> memref<16x1024xf32, #tpu.memory_space<vmem>>
    %dma_wait3A_317 = arith.constant 0 : i32
    %dma_wait3A_318 = tpu.memref_slice %arg7[%dma_wait3A, %dma_wait3A_317] : memref<4x16xi32, #tpu.memory_space<vmem>> -> memref<1x16xi32, #tpu.memory_space<vmem>>
    %dma_wait3A_319 = tpu.memref_squeeze %dma_wait3A_318 : memref<1x16xi32, #tpu.memory_space<vmem>> -> memref<16xi32, #tpu.memory_space<vmem>>
    %dma_wait3A_320 = arith.constant 0 : i32
    %dma_wait3A_321 = arith.constant 0 : i32
    %dma_wait3A_322 = tpu.memref_slice %arg2[%dma_wait3A_320, %dma_wait3A_321] : memref<8192x1024xf32, #tpu.memory_space<hbm>> -> memref<8192x1024xf32, #tpu.memory_space<hbm>>
    tpu.wait_indirect_dma semaphore(%arg13 : memref<!tpu.dma_semaphore, #tpu.memory_space<semaphore_mem>>) src(%dma_wait3A_322 : memref<8192x1024xf32, #tpu.memory_space<hbm>>) dst(%dma_wait3A_316 : memref<16x1024xf32, #tpu.memory_space<vmem>>)
    %dma_start3A_323 = arith.constant 0 : i32
    %dma_start3A_324 = arith.constant 0 : i32
    %dma_start3A_325 = tpu.memref_slice %arg10[%dma_start3A_323, %dma_start3A_324] : memref<16x2176xf32, #tpu.memory_space<vmem>> -> memref<16x1024xf32, #tpu.memory_space<vmem>>
    %dma_start3A_326 = arith.constant 0 : i32
    %dma_start3A_327 = tpu.memref_slice %arg5[%add3A_313, %dma_start3A_326] : memref<2048x2176xf32, #tpu.memory_space<hbm>> -> memref<16x1024xf32, #tpu.memory_space<hbm>>
    %dma_start3A_328 = arith.constant 0 : i32
    %dma_start3A_329 = tpu.memref_slice %arg5[%add3A_313, %dma_start3A_328] : memref<2048x2176xf32, #tpu.memory_space<hbm>> -> memref<16x1024xf32, #tpu.memory_space<hbm>>
    %dma_start3A_330 = arith.constant 0 : i32
    %dma_start3A_331 = arith.constant 0 : i32
    %dma_start3A_332 = tpu.memref_slice %arg10[%dma_start3A_330, %dma_start3A_331] : memref<16x2176xf32, #tpu.memory_space<vmem>> -> memref<16x1024xf32, #tpu.memory_space<vmem>>
    tpu.enqueue_dma source(%dma_start3A_332 : memref<16x1024xf32, #tpu.memory_space<vmem>>) target(%dma_start3A_329 : memref<16x1024xf32, #tpu.memory_space<hbm>>) target_semaphore(%arg22 : memref<!tpu.dma_semaphore, #tpu.memory_space<semaphore_mem>>)
    %dma_wait3A_333 = arith.constant 0 : i32
    %dma_wait3A_334 = arith.constant 0 : i32
    %dma_wait3A_335 = arith.constant 1024 : i32
    %dma_wait3A_336 = tpu.memref_slice %arg10[%dma_wait3A_334, %dma_wait3A_335] : memref<16x2176xf32, #tpu.memory_space<vmem>> -> memref<16x1024xf32, #tpu.memory_space<vmem>>
    %dma_wait3A_337 = arith.constant 0 : i32
    %dma_wait3A_338 = tpu.memref_slice %arg8[%dma_wait3A_333, %dma_wait3A_337] : memref<4x16xi32, #tpu.memory_space<vmem>> -> memref<1x16xi32, #tpu.memory_space<vmem>>
    %dma_wait3A_339 = tpu.memref_squeeze %dma_wait3A_338 : memref<1x16xi32, #tpu.memory_space<vmem>> -> memref<16xi32, #tpu.memory_space<vmem>>
    %dma_wait3A_340 = arith.constant 0 : i32
    %dma_wait3A_341 = arith.constant 0 : i32
    %dma_wait3A_342 = tpu.memref_slice %arg2[%dma_wait3A_340, %dma_wait3A_341] : memref<8192x1024xf32, #tpu.memory_space<hbm>> -> memref<8192x1024xf32, #tpu.memory_space<hbm>>
    tpu.wait_indirect_dma semaphore(%arg14 : memref<!tpu.dma_semaphore, #tpu.memory_space<semaphore_mem>>) src(%dma_wait3A_342 : memref<8192x1024xf32, #tpu.memory_space<hbm>>) dst(%dma_wait3A_336 : memref<16x1024xf32, #tpu.memory_space<vmem>>)
    %dma_start3A_343 = arith.constant 0 : i32
    %dma_start3A_344 = arith.constant 1024 : i32
    %dma_start3A_345 = tpu.memref_slice %arg10[%dma_start3A_343, %dma_start3A_344] : memref<16x2176xf32, #tpu.memory_space<vmem>> -> memref<16x1024xf32, #tpu.memory_space<vmem>>
    %dma_start3A_346 = arith.constant 1024 : i32
    %dma_start3A_347 = tpu.memref_slice %arg5[%add3A_313, %dma_start3A_346] : memref<2048x2176xf32, #tpu.memory_space<hbm>> -> memref<16x1024xf32, #tpu.memory_space<hbm>>
    %dma_start3A_348 = arith.constant 1024 : i32
    %dma_start3A_349 = tpu.memref_slice %arg5[%add3A_313, %dma_start3A_348] : memref<2048x2176xf32, #tpu.memory_space<hbm>> -> memref<16x1024xf32, #tpu.memory_space<hbm>>
    %dma_start3A_350 = arith.constant 0 : i32
    %dma_start3A_351 = arith.constant 1024 : i32
    %dma_start3A_352 = tpu.memref_slice %arg10[%dma_start3A_350, %dma_start3A_351] : memref<16x2176xf32, #tpu.memory_space<vmem>> -> memref<16x1024xf32, #tpu.memory_space<vmem>>
    tpu.enqueue_dma source(%dma_start3A_352 : memref<16x1024xf32, #tpu.memory_space<vmem>>) target(%dma_start3A_349 : memref<16x1024xf32, #tpu.memory_space<hbm>>) target_semaphore(%arg22 : memref<!tpu.dma_semaphore, #tpu.memory_space<semaphore_mem>>)
    %dma_wait3A_353 = arith.constant 0 : i32
    %dma_wait3A_354 = arith.constant 0 : i32
    %dma_wait3A_355 = arith.constant 2048 : i32
    %dma_wait3A_356 = tpu.memref_slice %arg10[%dma_wait3A_354, %dma_wait3A_355] : memref<16x2176xf32, #tpu.memory_space<vmem>> -> memref<16x128xf32, #tpu.memory_space<vmem>>
    %dma_wait3A_357 = arith.constant 0 : i32
    %dma_wait3A_358 = tpu.memref_slice %arg9[%dma_wait3A_353, %dma_wait3A_357] : memref<4x16xi32, #tpu.memory_space<vmem>> -> memref<1x16xi32, #tpu.memory_space<vmem>>
    %dma_wait3A_359 = tpu.memref_squeeze %dma_wait3A_358 : memref<1x16xi32, #tpu.memory_space<vmem>> -> memref<16xi32, #tpu.memory_space<vmem>>
    %dma_wait3A_360 = arith.constant 0 : i32
    %dma_wait3A_361 = arith.constant 0 : i32
    %dma_wait3A_362 = tpu.memref_slice %arg4[%dma_wait3A_360, %dma_wait3A_361] : memref<2048x128xf32, #tpu.memory_space<hbm>> -> memref<2048x128xf32, #tpu.memory_space<hbm>>
    tpu.wait_indirect_dma semaphore(%arg15 : memref<!tpu.dma_semaphore, #tpu.memory_space<semaphore_mem>>) src(%dma_wait3A_362 : memref<2048x128xf32, #tpu.memory_space<hbm>>) dst(%dma_wait3A_356 : memref<16x128xf32, #tpu.memory_space<vmem>>)
    %dma_start3A_363 = arith.constant 0 : i32
    %dma_start3A_364 = arith.constant 2048 : i32
    %dma_start3A_365 = tpu.memref_slice %arg10[%dma_start3A_363, %dma_start3A_364] : memref<16x2176xf32, #tpu.memory_space<vmem>> -> memref<16x128xf32, #tpu.memory_space<vmem>>
    %dma_start3A_366 = arith.constant 2048 : i32
    %dma_start3A_367 = tpu.memref_slice %arg5[%add3A_313, %dma_start3A_366] : memref<2048x2176xf32, #tpu.memory_space<hbm>> -> memref<16x128xf32, #tpu.memory_space<hbm>>
    %dma_start3A_368 = arith.constant 2048 : i32
    %dma_start3A_369 = tpu.memref_slice %arg5[%add3A_313, %dma_start3A_368] : memref<2048x2176xf32, #tpu.memory_space<hbm>> -> memref<16x128xf32, #tpu.memory_space<hbm>>
    %dma_start3A_370 = arith.constant 0 : i32
    %dma_start3A_371 = arith.constant 2048 : i32
    %dma_start3A_372 = tpu.memref_slice %arg10[%dma_start3A_370, %dma_start3A_371] : memref<16x2176xf32, #tpu.memory_space<vmem>> -> memref<16x128xf32, #tpu.memory_space<vmem>>
    tpu.enqueue_dma source(%dma_start3A_372 : memref<16x128xf32, #tpu.memory_space<vmem>>) target(%dma_start3A_369 : memref<16x128xf32, #tpu.memory_space<hbm>>) target_semaphore(%arg22 : memref<!tpu.dma_semaphore, #tpu.memory_space<semaphore_mem>>)
    %dma_wait3A_373 = arith.constant 0 : i32
    %dma_wait3A_374 = arith.constant 0 : i32
    %dma_wait3A_375 = tpu.memref_slice %arg10[%dma_wait3A_373, %dma_wait3A_374] : memref<16x2176xf32, #tpu.memory_space<vmem>> -> memref<16x1024xf32, #tpu.memory_space<vmem>>
    %dma_wait3A_376 = arith.constant 0 : i32
    %dma_wait3A_377 = tpu.memref_slice %arg5[%add3A_313, %dma_wait3A_376] : memref<2048x2176xf32, #tpu.memory_space<hbm>> -> memref<16x1024xf32, #tpu.memory_space<hbm>>
    %dma_wait3A_378 = arith.constant 0 : i32
    %dma_wait3A_379 = tpu.memref_slice %arg5[%add3A_313, %dma_wait3A_378] : memref<2048x2176xf32, #tpu.memory_space<hbm>> -> memref<16x1024xf32, #tpu.memory_space<hbm>>
    %dma_wait3A_380 = arith.constant 0 : i32
    %dma_wait3A_381 = arith.constant 0 : i32
    %dma_wait3A_382 = tpu.memref_slice %arg10[%dma_wait3A_380, %dma_wait3A_381] : memref<16x2176xf32, #tpu.memory_space<vmem>> -> memref<16x1024xf32, #tpu.memory_space<vmem>>
    tpu.wait_dma2 semaphore(%arg22 : memref<!tpu.dma_semaphore, #tpu.memory_space<semaphore_mem>>) src(%dma_wait3A_382 : memref<16x1024xf32, #tpu.memory_space<vmem>>) dst(%dma_wait3A_379 : memref<16x1024xf32, #tpu.memory_space<hbm>>)
    %dma_wait3A_383 = arith.constant 0 : i32
    %dma_wait3A_384 = arith.constant 1024 : i32
    %dma_wait3A_385 = tpu.memref_slice %arg10[%dma_wait3A_383, %dma_wait3A_384] : memref<16x2176xf32, #tpu.memory_space<vmem>> -> memref<16x1024xf32, #tpu.memory_space<vmem>>
    %dma_wait3A_386 = arith.constant 1024 : i32
    %dma_wait3A_387 = tpu.memref_slice %arg5[%add3A_313, %dma_wait3A_386] : memref<2048x2176xf32, #tpu.memory_space<hbm>> -> memref<16x1024xf32, #tpu.memory_space<hbm>>
    %dma_wait3A_388 = arith.constant 1024 : i32
    %dma_wait3A_389 = tpu.memref_slice %arg5[%add3A_313, %dma_wait3A_388] : memref<2048x2176xf32, #tpu.memory_space<hbm>> -> memref<16x1024xf32, #tpu.memory_space<hbm>>
    %dma_wait3A_390 = arith.constant 0 : i32
    %dma_wait3A_391 = arith.constant 1024 : i32
    %dma_wait3A_392 = tpu.memref_slice %arg10[%dma_wait3A_390, %dma_wait3A_391] : memref<16x2176xf32, #tpu.memory_space<vmem>> -> memref<16x1024xf32, #tpu.memory_space<vmem>>
    tpu.wait_dma2 semaphore(%arg22 : memref<!tpu.dma_semaphore, #tpu.memory_space<semaphore_mem>>) src(%dma_wait3A_392 : memref<16x1024xf32, #tpu.memory_space<vmem>>) dst(%dma_wait3A_389 : memref<16x1024xf32, #tpu.memory_space<hbm>>)
    %dma_wait3A_393 = arith.constant 0 : i32
    %dma_wait3A_394 = arith.constant 2048 : i32
    %dma_wait3A_395 = tpu.memref_slice %arg10[%dma_wait3A_393, %dma_wait3A_394] : memref<16x2176xf32, #tpu.memory_space<vmem>> -> memref<16x128xf32, #tpu.memory_space<vmem>>
    %dma_wait3A_396 = arith.constant 2048 : i32
    %dma_wait3A_397 = tpu.memref_slice %arg5[%add3A_313, %dma_wait3A_396] : memref<2048x2176xf32, #tpu.memory_space<hbm>> -> memref<16x128xf32, #tpu.memory_space<hbm>>
    %dma_wait3A_398 = arith.constant 2048 : i32
    %dma_wait3A_399 = tpu.memref_slice %arg5[%add3A_313, %dma_wait3A_398] : memref<2048x2176xf32, #tpu.memory_space<hbm>> -> memref<16x128xf32, #tpu.memory_space<hbm>>
    %dma_wait3A_400 = arith.constant 0 : i32
    %dma_wait3A_401 = arith.constant 2048 : i32
    %dma_wait3A_402 = tpu.memref_slice %arg10[%dma_wait3A_400, %dma_wait3A_401] : memref<16x2176xf32, #tpu.memory_space<vmem>> -> memref<16x128xf32, #tpu.memory_space<vmem>>
    tpu.wait_dma2 semaphore(%arg22 : memref<!tpu.dma_semaphore, #tpu.memory_space<semaphore_mem>>) src(%dma_wait3A_402 : memref<16x128xf32, #tpu.memory_space<vmem>>) dst(%dma_wait3A_399 : memref<16x128xf32, #tpu.memory_space<hbm>>)
    %dma_start3A_403 = arith.constant 3 : i32
    %dma_start3A_404 = arith.constant 0 : i32
    %dma_start3A_405 = arith.constant 0 : i32
    %dma_start3A_406 = tpu.memref_slice %arg10[%dma_start3A_404, %dma_start3A_405] : memref<16x2176xf32, #tpu.memory_space<vmem>> -> memref<16x1024xf32, #tpu.memory_space<vmem>>
    %dma_start3A_407 = arith.constant 0 : i32
    %dma_start3A_408 = tpu.memref_slice %arg7[%dma_start3A_403, %dma_start3A_407] : memref<4x16xi32, #tpu.memory_space<vmem>> -> memref<1x16xi32, #tpu.memory_space<vmem>>
    %dma_start3A_409 = tpu.memref_squeeze %dma_start3A_408 : memref<1x16xi32, #tpu.memory_space<vmem>> -> memref<16xi32, #tpu.memory_space<vmem>>
    %dma_start3A_410 = arith.constant 0 : i32
    %dma_start3A_411 = arith.constant 0 : i32
    %dma_start3A_412 = tpu.memref_slice %arg2[%dma_start3A_410, %dma_start3A_411] : memref<8192x1024xf32, #tpu.memory_space<hbm>> -> memref<8192x1024xf32, #tpu.memory_space<hbm>>
    tpu.enqueue_indirect_dma source(%dma_start3A_412 : memref<8192x1024xf32, #tpu.memory_space<hbm>>) target(%dma_start3A_406 : memref<16x1024xf32, #tpu.memory_space<vmem>>) offsets(%dma_start3A_409 : memref<16xi32, #tpu.memory_space<vmem>>) semaphore(%arg13 : memref<!tpu.dma_semaphore, #tpu.memory_space<semaphore_mem>>)
    %dma_start3A_413 = arith.constant 3 : i32
    %dma_start3A_414 = arith.constant 0 : i32
    %dma_start3A_415 = arith.constant 1024 : i32
    %dma_start3A_416 = tpu.memref_slice %arg10[%dma_start3A_414, %dma_start3A_415] : memref<16x2176xf32, #tpu.memory_space<vmem>> -> memref<16x1024xf32, #tpu.memory_space<vmem>>
    %dma_start3A_417 = arith.constant 0 : i32
    %dma_start3A_418 = tpu.memref_slice %arg8[%dma_start3A_413, %dma_start3A_417] : memref<4x16xi32, #tpu.memory_space<vmem>> -> memref<1x16xi32, #tpu.memory_space<vmem>>
    %dma_start3A_419 = tpu.memref_squeeze %dma_start3A_418 : memref<1x16xi32, #tpu.memory_space<vmem>> -> memref<16xi32, #tpu.memory_space<vmem>>
    %dma_start3A_420 = arith.constant 0 : i32
    %dma_start3A_421 = arith.constant 0 : i32
    %dma_start3A_422 = tpu.memref_slice %arg2[%dma_start3A_420, %dma_start3A_421] : memref<8192x1024xf32, #tpu.memory_space<hbm>> -> memref<8192x1024xf32, #tpu.memory_space<hbm>>
    tpu.enqueue_indirect_dma source(%dma_start3A_422 : memref<8192x1024xf32, #tpu.memory_space<hbm>>) target(%dma_start3A_416 : memref<16x1024xf32, #tpu.memory_space<vmem>>) offsets(%dma_start3A_419 : memref<16xi32, #tpu.memory_space<vmem>>) semaphore(%arg14 : memref<!tpu.dma_semaphore, #tpu.memory_space<semaphore_mem>>)
    %dma_start3A_423 = arith.constant 3 : i32
    %dma_start3A_424 = arith.constant 0 : i32
    %dma_start3A_425 = arith.constant 2048 : i32
    %dma_start3A_426 = tpu.memref_slice %arg10[%dma_start3A_424, %dma_start3A_425] : memref<16x2176xf32, #tpu.memory_space<vmem>> -> memref<16x128xf32, #tpu.memory_space<vmem>>
    %dma_start3A_427 = arith.constant 0 : i32
    %dma_start3A_428 = tpu.memref_slice %arg9[%dma_start3A_423, %dma_start3A_427] : memref<4x16xi32, #tpu.memory_space<vmem>> -> memref<1x16xi32, #tpu.memory_space<vmem>>
    %dma_start3A_429 = tpu.memref_squeeze %dma_start3A_428 : memref<1x16xi32, #tpu.memory_space<vmem>> -> memref<16xi32, #tpu.memory_space<vmem>>
    %dma_start3A_430 = arith.constant 0 : i32
    %dma_start3A_431 = arith.constant 0 : i32
    %dma_start3A_432 = tpu.memref_slice %arg4[%dma_start3A_430, %dma_start3A_431] : memref<2048x128xf32, #tpu.memory_space<hbm>> -> memref<2048x128xf32, #tpu.memory_space<hbm>>
    tpu.enqueue_indirect_dma source(%dma_start3A_432 : memref<2048x128xf32, #tpu.memory_space<hbm>>) target(%dma_start3A_426 : memref<16x128xf32, #tpu.memory_space<vmem>>) offsets(%dma_start3A_429 : memref<16xi32, #tpu.memory_space<vmem>>) semaphore(%arg15 : memref<!tpu.dma_semaphore, #tpu.memory_space<semaphore_mem>>)
    %add3A_433 = arith.constant 16 : i32
    %add3A_434 = arith.addi %mul3A_2, %add3A_433 : i32
    %dma_wait3A_435 = arith.constant 1 : i32
    %dma_wait3A_436 = arith.constant 0 : i32
    %dma_wait3A_437 = arith.constant 0 : i32
    %dma_wait3A_438 = tpu.memref_slice %arg11[%dma_wait3A_436, %dma_wait3A_437] : memref<16x2176xf32, #tpu.memory_space<vmem>> -> memref<16x1024xf32, #tpu.memory_space<vmem>>
    %dma_wait3A_439 = arith.constant 0 : i32
    %dma_wait3A_440 = tpu.memref_slice %arg7[%dma_wait3A_435, %dma_wait3A_439] : memref<4x16xi32, #tpu.memory_space<vmem>> -> memref<1x16xi32, #tpu.memory_space<vmem>>
    %dma_wait3A_441 = tpu.memref_squeeze %dma_wait3A_440 : memref<1x16xi32, #tpu.memory_space<vmem>> -> memref<16xi32, #tpu.memory_space<vmem>>
    %dma_wait3A_442 = arith.constant 0 : i32
    %dma_wait3A_443 = arith.constant 0 : i32
    %dma_wait3A_444 = tpu.memref_slice %arg2[%dma_wait3A_442, %dma_wait3A_443] : memref<8192x1024xf32, #tpu.memory_space<hbm>> -> memref<8192x1024xf32, #tpu.memory_space<hbm>>
    tpu.wait_indirect_dma semaphore(%arg16 : memref<!tpu.dma_semaphore, #tpu.memory_space<semaphore_mem>>) src(%dma_wait3A_444 : memref<8192x1024xf32, #tpu.memory_space<hbm>>) dst(%dma_wait3A_438 : memref<16x1024xf32, #tpu.memory_space<vmem>>)
    %dma_start3A_445 = arith.constant 0 : i32
    %dma_start3A_446 = arith.constant 0 : i32
    %dma_start3A_447 = tpu.memref_slice %arg11[%dma_start3A_445, %dma_start3A_446] : memref<16x2176xf32, #tpu.memory_space<vmem>> -> memref<16x1024xf32, #tpu.memory_space<vmem>>
    %dma_start3A_448 = arith.constant 0 : i32
    %dma_start3A_449 = tpu.memref_slice %arg5[%add3A_434, %dma_start3A_448] : memref<2048x2176xf32, #tpu.memory_space<hbm>> -> memref<16x1024xf32, #tpu.memory_space<hbm>>
    %dma_start3A_450 = arith.constant 0 : i32
    %dma_start3A_451 = tpu.memref_slice %arg5[%add3A_434, %dma_start3A_450] : memref<2048x2176xf32, #tpu.memory_space<hbm>> -> memref<16x1024xf32, #tpu.memory_space<hbm>>
    %dma_start3A_452 = arith.constant 0 : i32
    %dma_start3A_453 = arith.constant 0 : i32
    %dma_start3A_454 = tpu.memref_slice %arg11[%dma_start3A_452, %dma_start3A_453] : memref<16x2176xf32, #tpu.memory_space<vmem>> -> memref<16x1024xf32, #tpu.memory_space<vmem>>
    tpu.enqueue_dma source(%dma_start3A_454 : memref<16x1024xf32, #tpu.memory_space<vmem>>) target(%dma_start3A_451 : memref<16x1024xf32, #tpu.memory_space<hbm>>) target_semaphore(%arg23 : memref<!tpu.dma_semaphore, #tpu.memory_space<semaphore_mem>>)
    %dma_wait3A_455 = arith.constant 1 : i32
    %dma_wait3A_456 = arith.constant 0 : i32
    %dma_wait3A_457 = arith.constant 1024 : i32
    %dma_wait3A_458 = tpu.memref_slice %arg11[%dma_wait3A_456, %dma_wait3A_457] : memref<16x2176xf32, #tpu.memory_space<vmem>> -> memref<16x1024xf32, #tpu.memory_space<vmem>>
    %dma_wait3A_459 = arith.constant 0 : i32
    %dma_wait3A_460 = tpu.memref_slice %arg8[%dma_wait3A_455, %dma_wait3A_459] : memref<4x16xi32, #tpu.memory_space<vmem>> -> memref<1x16xi32, #tpu.memory_space<vmem>>
    %dma_wait3A_461 = tpu.memref_squeeze %dma_wait3A_460 : memref<1x16xi32, #tpu.memory_space<vmem>> -> memref<16xi32, #tpu.memory_space<vmem>>
    %dma_wait3A_462 = arith.constant 0 : i32
    %dma_wait3A_463 = arith.constant 0 : i32
    %dma_wait3A_464 = tpu.memref_slice %arg2[%dma_wait3A_462, %dma_wait3A_463] : memref<8192x1024xf32, #tpu.memory_space<hbm>> -> memref<8192x1024xf32, #tpu.memory_space<hbm>>
    tpu.wait_indirect_dma semaphore(%arg17 : memref<!tpu.dma_semaphore, #tpu.memory_space<semaphore_mem>>) src(%dma_wait3A_464 : memref<8192x1024xf32, #tpu.memory_space<hbm>>) dst(%dma_wait3A_458 : memref<16x1024xf32, #tpu.memory_space<vmem>>)
    %dma_start3A_465 = arith.constant 0 : i32
    %dma_start3A_466 = arith.constant 1024 : i32
    %dma_start3A_467 = tpu.memref_slice %arg11[%dma_start3A_465, %dma_start3A_466] : memref<16x2176xf32, #tpu.memory_space<vmem>> -> memref<16x1024xf32, #tpu.memory_space<vmem>>
    %dma_start3A_468 = arith.constant 1024 : i32
    %dma_start3A_469 = tpu.memref_slice %arg5[%add3A_434, %dma_start3A_468] : memref<2048x2176xf32, #tpu.memory_space<hbm>> -> memref<16x1024xf32, #tpu.memory_space<hbm>>
    %dma_start3A_470 = arith.constant 1024 : i32
    %dma_start3A_471 = tpu.memref_slice %arg5[%add3A_434, %dma_start3A_470] : memref<2048x2176xf32, #tpu.memory_space<hbm>> -> memref<16x1024xf32, #tpu.memory_space<hbm>>
    %dma_start3A_472 = arith.constant 0 : i32
    %dma_start3A_473 = arith.constant 1024 : i32
    %dma_start3A_474 = tpu.memref_slice %arg11[%dma_start3A_472, %dma_start3A_473] : memref<16x2176xf32, #tpu.memory_space<vmem>> -> memref<16x1024xf32, #tpu.memory_space<vmem>>
    tpu.enqueue_dma source(%dma_start3A_474 : memref<16x1024xf32, #tpu.memory_space<vmem>>) target(%dma_start3A_471 : memref<16x1024xf32, #tpu.memory_space<hbm>>) target_semaphore(%arg23 : memref<!tpu.dma_semaphore, #tpu.memory_space<semaphore_mem>>)
    %dma_wait3A_475 = arith.constant 1 : i32
    %dma_wait3A_476 = arith.constant 0 : i32
    %dma_wait3A_477 = arith.constant 2048 : i32
    %dma_wait3A_478 = tpu.memref_slice %arg11[%dma_wait3A_476, %dma_wait3A_477] : memref<16x2176xf32, #tpu.memory_space<vmem>> -> memref<16x128xf32, #tpu.memory_space<vmem>>
    %dma_wait3A_479 = arith.constant 0 : i32
    %dma_wait3A_480 = tpu.memref_slice %arg9[%dma_wait3A_475, %dma_wait3A_479] : memref<4x16xi32, #tpu.memory_space<vmem>> -> memref<1x16xi32, #tpu.memory_space<vmem>>
    %dma_wait3A_481 = tpu.memref_squeeze %dma_wait3A_480 : memref<1x16xi32, #tpu.memory_space<vmem>> -> memref<16xi32, #tpu.memory_space<vmem>>
    %dma_wait3A_482 = arith.constant 0 : i32
    %dma_wait3A_483 = arith.constant 0 : i32
    %dma_wait3A_484 = tpu.memref_slice %arg4[%dma_wait3A_482, %dma_wait3A_483] : memref<2048x128xf32, #tpu.memory_space<hbm>> -> memref<2048x128xf32, #tpu.memory_space<hbm>>
    tpu.wait_indirect_dma semaphore(%arg18 : memref<!tpu.dma_semaphore, #tpu.memory_space<semaphore_mem>>) src(%dma_wait3A_484 : memref<2048x128xf32, #tpu.memory_space<hbm>>) dst(%dma_wait3A_478 : memref<16x128xf32, #tpu.memory_space<vmem>>)
    %dma_start3A_485 = arith.constant 0 : i32
    %dma_start3A_486 = arith.constant 2048 : i32
    %dma_start3A_487 = tpu.memref_slice %arg11[%dma_start3A_485, %dma_start3A_486] : memref<16x2176xf32, #tpu.memory_space<vmem>> -> memref<16x128xf32, #tpu.memory_space<vmem>>
    %dma_start3A_488 = arith.constant 2048 : i32
    %dma_start3A_489 = tpu.memref_slice %arg5[%add3A_434, %dma_start3A_488] : memref<2048x2176xf32, #tpu.memory_space<hbm>> -> memref<16x128xf32, #tpu.memory_space<hbm>>
    %dma_start3A_490 = arith.constant 2048 : i32
    %dma_start3A_491 = tpu.memref_slice %arg5[%add3A_434, %dma_start3A_490] : memref<2048x2176xf32, #tpu.memory_space<hbm>> -> memref<16x128xf32, #tpu.memory_space<hbm>>
    %dma_start3A_492 = arith.constant 0 : i32
    %dma_start3A_493 = arith.constant 2048 : i32
    %dma_start3A_494 = tpu.memref_slice %arg11[%dma_start3A_492, %dma_start3A_493] : memref<16x2176xf32, #tpu.memory_space<vmem>> -> memref<16x128xf32, #tpu.memory_space<vmem>>
    tpu.enqueue_dma source(%dma_start3A_494 : memref<16x128xf32, #tpu.memory_space<vmem>>) target(%dma_start3A_491 : memref<16x128xf32, #tpu.memory_space<hbm>>) target_semaphore(%arg23 : memref<!tpu.dma_semaphore, #tpu.memory_space<semaphore_mem>>)
    %add3A_495 = arith.constant 32 : i32
    %add3A_496 = arith.addi %mul3A_2, %add3A_495 : i32
    %dma_wait3A_497 = arith.constant 2 : i32
    %dma_wait3A_498 = arith.constant 0 : i32
    %dma_wait3A_499 = arith.constant 0 : i32
    %dma_wait3A_500 = tpu.memref_slice %arg12[%dma_wait3A_498, %dma_wait3A_499] : memref<16x2176xf32, #tpu.memory_space<vmem>> -> memref<16x1024xf32, #tpu.memory_space<vmem>>
    %dma_wait3A_501 = arith.constant 0 : i32
    %dma_wait3A_502 = tpu.memref_slice %arg7[%dma_wait3A_497, %dma_wait3A_501] : memref<4x16xi32, #tpu.memory_space<vmem>> -> memref<1x16xi32, #tpu.memory_space<vmem>>
    %dma_wait3A_503 = tpu.memref_squeeze %dma_wait3A_502 : memref<1x16xi32, #tpu.memory_space<vmem>> -> memref<16xi32, #tpu.memory_space<vmem>>
    %dma_wait3A_504 = arith.constant 0 : i32
    %dma_wait3A_505 = arith.constant 0 : i32
    %dma_wait3A_506 = tpu.memref_slice %arg2[%dma_wait3A_504, %dma_wait3A_505] : memref<8192x1024xf32, #tpu.memory_space<hbm>> -> memref<8192x1024xf32, #tpu.memory_space<hbm>>
    tpu.wait_indirect_dma semaphore(%arg19 : memref<!tpu.dma_semaphore, #tpu.memory_space<semaphore_mem>>) src(%dma_wait3A_506 : memref<8192x1024xf32, #tpu.memory_space<hbm>>) dst(%dma_wait3A_500 : memref<16x1024xf32, #tpu.memory_space<vmem>>)
    %dma_start3A_507 = arith.constant 0 : i32
    %dma_start3A_508 = arith.constant 0 : i32
    %dma_start3A_509 = tpu.memref_slice %arg12[%dma_start3A_507, %dma_start3A_508] : memref<16x2176xf32, #tpu.memory_space<vmem>> -> memref<16x1024xf32, #tpu.memory_space<vmem>>
    %dma_start3A_510 = arith.constant 0 : i32
    %dma_start3A_511 = tpu.memref_slice %arg5[%add3A_496, %dma_start3A_510] : memref<2048x2176xf32, #tpu.memory_space<hbm>> -> memref<16x1024xf32, #tpu.memory_space<hbm>>
    %dma_start3A_512 = arith.constant 0 : i32
    %dma_start3A_513 = tpu.memref_slice %arg5[%add3A_496, %dma_start3A_512] : memref<2048x2176xf32, #tpu.memory_space<hbm>> -> memref<16x1024xf32, #tpu.memory_space<hbm>>
    %dma_start3A_514 = arith.constant 0 : i32
    %dma_start3A_515 = arith.constant 0 : i32
    %dma_start3A_516 = tpu.memref_slice %arg12[%dma_start3A_514, %dma_start3A_515] : memref<16x2176xf32, #tpu.memory_space<vmem>> -> memref<16x1024xf32, #tpu.memory_space<vmem>>
    tpu.enqueue_dma source(%dma_start3A_516 : memref<16x1024xf32, #tpu.memory_space<vmem>>) target(%dma_start3A_513 : memref<16x1024xf32, #tpu.memory_space<hbm>>) target_semaphore(%arg24 : memref<!tpu.dma_semaphore, #tpu.memory_space<semaphore_mem>>)
    %dma_wait3A_517 = arith.constant 2 : i32
    %dma_wait3A_518 = arith.constant 0 : i32
    %dma_wait3A_519 = arith.constant 1024 : i32
    %dma_wait3A_520 = tpu.memref_slice %arg12[%dma_wait3A_518, %dma_wait3A_519] : memref<16x2176xf32, #tpu.memory_space<vmem>> -> memref<16x1024xf32, #tpu.memory_space<vmem>>
    %dma_wait3A_521 = arith.constant 0 : i32
    %dma_wait3A_522 = tpu.memref_slice %arg8[%dma_wait3A_517, %dma_wait3A_521] : memref<4x16xi32, #tpu.memory_space<vmem>> -> memref<1x16xi32, #tpu.memory_space<vmem>>
    %dma_wait3A_523 = tpu.memref_squeeze %dma_wait3A_522 : memref<1x16xi32, #tpu.memory_space<vmem>> -> memref<16xi32, #tpu.memory_space<vmem>>
    %dma_wait3A_524 = arith.constant 0 : i32
    %dma_wait3A_525 = arith.constant 0 : i32
    %dma_wait3A_526 = tpu.memref_slice %arg2[%dma_wait3A_524, %dma_wait3A_525] : memref<8192x1024xf32, #tpu.memory_space<hbm>> -> memref<8192x1024xf32, #tpu.memory_space<hbm>>
    tpu.wait_indirect_dma semaphore(%arg20 : memref<!tpu.dma_semaphore, #tpu.memory_space<semaphore_mem>>) src(%dma_wait3A_526 : memref<8192x1024xf32, #tpu.memory_space<hbm>>) dst(%dma_wait3A_520 : memref<16x1024xf32, #tpu.memory_space<vmem>>)
    %dma_start3A_527 = arith.constant 0 : i32
    %dma_start3A_528 = arith.constant 1024 : i32
    %dma_start3A_529 = tpu.memref_slice %arg12[%dma_start3A_527, %dma_start3A_528] : memref<16x2176xf32, #tpu.memory_space<vmem>> -> memref<16x1024xf32, #tpu.memory_space<vmem>>
    %dma_start3A_530 = arith.constant 1024 : i32
    %dma_start3A_531 = tpu.memref_slice %arg5[%add3A_496, %dma_start3A_530] : memref<2048x2176xf32, #tpu.memory_space<hbm>> -> memref<16x1024xf32, #tpu.memory_space<hbm>>
    %dma_start3A_532 = arith.constant 1024 : i32
    %dma_start3A_533 = tpu.memref_slice %arg5[%add3A_496, %dma_start3A_532] : memref<2048x2176xf32, #tpu.memory_space<hbm>> -> memref<16x1024xf32, #tpu.memory_space<hbm>>
    %dma_start3A_534 = arith.constant 0 : i32
    %dma_start3A_535 = arith.constant 1024 : i32
    %dma_start3A_536 = tpu.memref_slice %arg12[%dma_start3A_534, %dma_start3A_535] : memref<16x2176xf32, #tpu.memory_space<vmem>> -> memref<16x1024xf32, #tpu.memory_space<vmem>>
    tpu.enqueue_dma source(%dma_start3A_536 : memref<16x1024xf32, #tpu.memory_space<vmem>>) target(%dma_start3A_533 : memref<16x1024xf32, #tpu.memory_space<hbm>>) target_semaphore(%arg24 : memref<!tpu.dma_semaphore, #tpu.memory_space<semaphore_mem>>)
    %dma_wait3A_537 = arith.constant 2 : i32
    %dma_wait3A_538 = arith.constant 0 : i32
    %dma_wait3A_539 = arith.constant 2048 : i32
    %dma_wait3A_540 = tpu.memref_slice %arg12[%dma_wait3A_538, %dma_wait3A_539] : memref<16x2176xf32, #tpu.memory_space<vmem>> -> memref<16x128xf32, #tpu.memory_space<vmem>>
    %dma_wait3A_541 = arith.constant 0 : i32
    %dma_wait3A_542 = tpu.memref_slice %arg9[%dma_wait3A_537, %dma_wait3A_541] : memref<4x16xi32, #tpu.memory_space<vmem>> -> memref<1x16xi32, #tpu.memory_space<vmem>>
    %dma_wait3A_543 = tpu.memref_squeeze %dma_wait3A_542 : memref<1x16xi32, #tpu.memory_space<vmem>> -> memref<16xi32, #tpu.memory_space<vmem>>
    %dma_wait3A_544 = arith.constant 0 : i32
    %dma_wait3A_545 = arith.constant 0 : i32
    %dma_wait3A_546 = tpu.memref_slice %arg4[%dma_wait3A_544, %dma_wait3A_545] : memref<2048x128xf32, #tpu.memory_space<hbm>> -> memref<2048x128xf32, #tpu.memory_space<hbm>>
    tpu.wait_indirect_dma semaphore(%arg21 : memref<!tpu.dma_semaphore, #tpu.memory_space<semaphore_mem>>) src(%dma_wait3A_546 : memref<2048x128xf32, #tpu.memory_space<hbm>>) dst(%dma_wait3A_540 : memref<16x128xf32, #tpu.memory_space<vmem>>)
    %dma_start3A_547 = arith.constant 0 : i32
    %dma_start3A_548 = arith.constant 2048 : i32
    %dma_start3A_549 = tpu.memref_slice %arg12[%dma_start3A_547, %dma_start3A_548] : memref<16x2176xf32, #tpu.memory_space<vmem>> -> memref<16x128xf32, #tpu.memory_space<vmem>>
    %dma_start3A_550 = arith.constant 2048 : i32
    %dma_start3A_551 = tpu.memref_slice %arg5[%add3A_496, %dma_start3A_550] : memref<2048x2176xf32, #tpu.memory_space<hbm>> -> memref<16x128xf32, #tpu.memory_space<hbm>>
    %dma_start3A_552 = arith.constant 2048 : i32
    %dma_start3A_553 = tpu.memref_slice %arg5[%add3A_496, %dma_start3A_552] : memref<2048x2176xf32, #tpu.memory_space<hbm>> -> memref<16x128xf32, #tpu.memory_space<hbm>>
    %dma_start3A_554 = arith.constant 0 : i32
    %dma_start3A_555 = arith.constant 2048 : i32
    %dma_start3A_556 = tpu.memref_slice %arg12[%dma_start3A_554, %dma_start3A_555] : memref<16x2176xf32, #tpu.memory_space<vmem>> -> memref<16x128xf32, #tpu.memory_space<vmem>>
    tpu.enqueue_dma source(%dma_start3A_556 : memref<16x128xf32, #tpu.memory_space<vmem>>) target(%dma_start3A_553 : memref<16x128xf32, #tpu.memory_space<hbm>>) target_semaphore(%arg24 : memref<!tpu.dma_semaphore, #tpu.memory_space<semaphore_mem>>)
    %add3A_557 = arith.constant 48 : i32
    %add3A_558 = arith.addi %mul3A_2, %add3A_557 : i32
    %dma_wait3A_559 = arith.constant 3 : i32
    %dma_wait3A_560 = arith.constant 0 : i32
    %dma_wait3A_561 = arith.constant 0 : i32
    %dma_wait3A_562 = tpu.memref_slice %arg10[%dma_wait3A_560, %dma_wait3A_561] : memref<16x2176xf32, #tpu.memory_space<vmem>> -> memref<16x1024xf32, #tpu.memory_space<vmem>>
    %dma_wait3A_563 = arith.constant 0 : i32
    %dma_wait3A_564 = tpu.memref_slice %arg7[%dma_wait3A_559, %dma_wait3A_563] : memref<4x16xi32, #tpu.memory_space<vmem>> -> memref<1x16xi32, #tpu.memory_space<vmem>>
    %dma_wait3A_565 = tpu.memref_squeeze %dma_wait3A_564 : memref<1x16xi32, #tpu.memory_space<vmem>> -> memref<16xi32, #tpu.memory_space<vmem>>
    %dma_wait3A_566 = arith.constant 0 : i32
    %dma_wait3A_567 = arith.constant 0 : i32
    %dma_wait3A_568 = tpu.memref_slice %arg2[%dma_wait3A_566, %dma_wait3A_567] : memref<8192x1024xf32, #tpu.memory_space<hbm>> -> memref<8192x1024xf32, #tpu.memory_space<hbm>>
    tpu.wait_indirect_dma semaphore(%arg13 : memref<!tpu.dma_semaphore, #tpu.memory_space<semaphore_mem>>) src(%dma_wait3A_568 : memref<8192x1024xf32, #tpu.memory_space<hbm>>) dst(%dma_wait3A_562 : memref<16x1024xf32, #tpu.memory_space<vmem>>)
    %dma_start3A_569 = arith.constant 0 : i32
    %dma_start3A_570 = arith.constant 0 : i32
    %dma_start3A_571 = tpu.memref_slice %arg10[%dma_start3A_569, %dma_start3A_570] : memref<16x2176xf32, #tpu.memory_space<vmem>> -> memref<16x1024xf32, #tpu.memory_space<vmem>>
    %dma_start3A_572 = arith.constant 0 : i32
    %dma_start3A_573 = tpu.memref_slice %arg5[%add3A_558, %dma_start3A_572] : memref<2048x2176xf32, #tpu.memory_space<hbm>> -> memref<16x1024xf32, #tpu.memory_space<hbm>>
    %dma_start3A_574 = arith.constant 0 : i32
    %dma_start3A_575 = tpu.memref_slice %arg5[%add3A_558, %dma_start3A_574] : memref<2048x2176xf32, #tpu.memory_space<hbm>> -> memref<16x1024xf32, #tpu.memory_space<hbm>>
    %dma_start3A_576 = arith.constant 0 : i32
    %dma_start3A_577 = arith.constant 0 : i32
    %dma_start3A_578 = tpu.memref_slice %arg10[%dma_start3A_576, %dma_start3A_577] : memref<16x2176xf32, #tpu.memory_space<vmem>> -> memref<16x1024xf32, #tpu.memory_space<vmem>>
    tpu.enqueue_dma source(%dma_start3A_578 : memref<16x1024xf32, #tpu.memory_space<vmem>>) target(%dma_start3A_575 : memref<16x1024xf32, #tpu.memory_space<hbm>>) target_semaphore(%arg22 : memref<!tpu.dma_semaphore, #tpu.memory_space<semaphore_mem>>)
    %dma_wait3A_579 = arith.constant 3 : i32
    %dma_wait3A_580 = arith.constant 0 : i32
    %dma_wait3A_581 = arith.constant 1024 : i32
    %dma_wait3A_582 = tpu.memref_slice %arg10[%dma_wait3A_580, %dma_wait3A_581] : memref<16x2176xf32, #tpu.memory_space<vmem>> -> memref<16x1024xf32, #tpu.memory_space<vmem>>
    %dma_wait3A_583 = arith.constant 0 : i32
    %dma_wait3A_584 = tpu.memref_slice %arg8[%dma_wait3A_579, %dma_wait3A_583] : memref<4x16xi32, #tpu.memory_space<vmem>> -> memref<1x16xi32, #tpu.memory_space<vmem>>
    %dma_wait3A_585 = tpu.memref_squeeze %dma_wait3A_584 : memref<1x16xi32, #tpu.memory_space<vmem>> -> memref<16xi32, #tpu.memory_space<vmem>>
    %dma_wait3A_586 = arith.constant 0 : i32
    %dma_wait3A_587 = arith.constant 0 : i32
    %dma_wait3A_588 = tpu.memref_slice %arg2[%dma_wait3A_586, %dma_wait3A_587] : memref<8192x1024xf32, #tpu.memory_space<hbm>> -> memref<8192x1024xf32, #tpu.memory_space<hbm>>
    tpu.wait_indirect_dma semaphore(%arg14 : memref<!tpu.dma_semaphore, #tpu.memory_space<semaphore_mem>>) src(%dma_wait3A_588 : memref<8192x1024xf32, #tpu.memory_space<hbm>>) dst(%dma_wait3A_582 : memref<16x1024xf32, #tpu.memory_space<vmem>>)
    %dma_start3A_589 = arith.constant 0 : i32
    %dma_start3A_590 = arith.constant 1024 : i32
    %dma_start3A_591 = tpu.memref_slice %arg10[%dma_start3A_589, %dma_start3A_590] : memref<16x2176xf32, #tpu.memory_space<vmem>> -> memref<16x1024xf32, #tpu.memory_space<vmem>>
    %dma_start3A_592 = arith.constant 1024 : i32
    %dma_start3A_593 = tpu.memref_slice %arg5[%add3A_558, %dma_start3A_592] : memref<2048x2176xf32, #tpu.memory_space<hbm>> -> memref<16x1024xf32, #tpu.memory_space<hbm>>
    %dma_start3A_594 = arith.constant 1024 : i32
    %dma_start3A_595 = tpu.memref_slice %arg5[%add3A_558, %dma_start3A_594] : memref<2048x2176xf32, #tpu.memory_space<hbm>> -> memref<16x1024xf32, #tpu.memory_space<hbm>>
    %dma_start3A_596 = arith.constant 0 : i32
    %dma_start3A_597 = arith.constant 1024 : i32
    %dma_start3A_598 = tpu.memref_slice %arg10[%dma_start3A_596, %dma_start3A_597] : memref<16x2176xf32, #tpu.memory_space<vmem>> -> memref<16x1024xf32, #tpu.memory_space<vmem>>
    tpu.enqueue_dma source(%dma_start3A_598 : memref<16x1024xf32, #tpu.memory_space<vmem>>) target(%dma_start3A_595 : memref<16x1024xf32, #tpu.memory_space<hbm>>) target_semaphore(%arg22 : memref<!tpu.dma_semaphore, #tpu.memory_space<semaphore_mem>>)
    %dma_wait3A_599 = arith.constant 3 : i32
    %dma_wait3A_600 = arith.constant 0 : i32
    %dma_wait3A_601 = arith.constant 2048 : i32
    %dma_wait3A_602 = tpu.memref_slice %arg10[%dma_wait3A_600, %dma_wait3A_601] : memref<16x2176xf32, #tpu.memory_space<vmem>> -> memref<16x128xf32, #tpu.memory_space<vmem>>
    %dma_wait3A_603 = arith.constant 0 : i32
    %dma_wait3A_604 = tpu.memref_slice %arg9[%dma_wait3A_599, %dma_wait3A_603] : memref<4x16xi32, #tpu.memory_space<vmem>> -> memref<1x16xi32, #tpu.memory_space<vmem>>
    %dma_wait3A_605 = tpu.memref_squeeze %dma_wait3A_604 : memref<1x16xi32, #tpu.memory_space<vmem>> -> memref<16xi32, #tpu.memory_space<vmem>>
    %dma_wait3A_606 = arith.constant 0 : i32
    %dma_wait3A_607 = arith.constant 0 : i32
    %dma_wait3A_608 = tpu.memref_slice %arg4[%dma_wait3A_606, %dma_wait3A_607] : memref<2048x128xf32, #tpu.memory_space<hbm>> -> memref<2048x128xf32, #tpu.memory_space<hbm>>
    tpu.wait_indirect_dma semaphore(%arg15 : memref<!tpu.dma_semaphore, #tpu.memory_space<semaphore_mem>>) src(%dma_wait3A_608 : memref<2048x128xf32, #tpu.memory_space<hbm>>) dst(%dma_wait3A_602 : memref<16x128xf32, #tpu.memory_space<vmem>>)
    %dma_start3A_609 = arith.constant 0 : i32
    %dma_start3A_610 = arith.constant 2048 : i32
    %dma_start3A_611 = tpu.memref_slice %arg10[%dma_start3A_609, %dma_start3A_610] : memref<16x2176xf32, #tpu.memory_space<vmem>> -> memref<16x128xf32, #tpu.memory_space<vmem>>
    %dma_start3A_612 = arith.constant 2048 : i32
    %dma_start3A_613 = tpu.memref_slice %arg5[%add3A_558, %dma_start3A_612] : memref<2048x2176xf32, #tpu.memory_space<hbm>> -> memref<16x128xf32, #tpu.memory_space<hbm>>
    %dma_start3A_614 = arith.constant 2048 : i32
    %dma_start3A_615 = tpu.memref_slice %arg5[%add3A_558, %dma_start3A_614] : memref<2048x2176xf32, #tpu.memory_space<hbm>> -> memref<16x128xf32, #tpu.memory_space<hbm>>
    %dma_start3A_616 = arith.constant 0 : i32
    %dma_start3A_617 = arith.constant 2048 : i32
    %dma_start3A_618 = tpu.memref_slice %arg10[%dma_start3A_616, %dma_start3A_617] : memref<16x2176xf32, #tpu.memory_space<vmem>> -> memref<16x128xf32, #tpu.memory_space<vmem>>
    tpu.enqueue_dma source(%dma_start3A_618 : memref<16x128xf32, #tpu.memory_space<vmem>>) target(%dma_start3A_615 : memref<16x128xf32, #tpu.memory_space<hbm>>) target_semaphore(%arg22 : memref<!tpu.dma_semaphore, #tpu.memory_space<semaphore_mem>>)
    %dma_wait3A_619 = arith.constant 0 : i32
    %dma_wait3A_620 = arith.constant 0 : i32
    %dma_wait3A_621 = tpu.memref_slice %arg10[%dma_wait3A_619, %dma_wait3A_620] : memref<16x2176xf32, #tpu.memory_space<vmem>> -> memref<16x1024xf32, #tpu.memory_space<vmem>>
    %dma_wait3A_622 = arith.constant 0 : i32
    %dma_wait3A_623 = tpu.memref_slice %arg5[%add3A_558, %dma_wait3A_622] : memref<2048x2176xf32, #tpu.memory_space<hbm>> -> memref<16x1024xf32, #tpu.memory_space<hbm>>
    %dma_wait3A_624 = arith.constant 0 : i32
    %dma_wait3A_625 = tpu.memref_slice %arg5[%add3A_558, %dma_wait3A_624] : memref<2048x2176xf32, #tpu.memory_space<hbm>> -> memref<16x1024xf32, #tpu.memory_space<hbm>>
    %dma_wait3A_626 = arith.constant 0 : i32
    %dma_wait3A_627 = arith.constant 0 : i32
    %dma_wait3A_628 = tpu.memref_slice %arg10[%dma_wait3A_626, %dma_wait3A_627] : memref<16x2176xf32, #tpu.memory_space<vmem>> -> memref<16x1024xf32, #tpu.memory_space<vmem>>
    tpu.wait_dma2 semaphore(%arg22 : memref<!tpu.dma_semaphore, #tpu.memory_space<semaphore_mem>>) src(%dma_wait3A_628 : memref<16x1024xf32, #tpu.memory_space<vmem>>) dst(%dma_wait3A_625 : memref<16x1024xf32, #tpu.memory_space<hbm>>)
    %dma_wait3A_629 = arith.constant 0 : i32
    %dma_wait3A_630 = arith.constant 1024 : i32
    %dma_wait3A_631 = tpu.memref_slice %arg10[%dma_wait3A_629, %dma_wait3A_630] : memref<16x2176xf32, #tpu.memory_space<vmem>> -> memref<16x1024xf32, #tpu.memory_space<vmem>>
    %dma_wait3A_632 = arith.constant 1024 : i32
    %dma_wait3A_633 = tpu.memref_slice %arg5[%add3A_558, %dma_wait3A_632] : memref<2048x2176xf32, #tpu.memory_space<hbm>> -> memref<16x1024xf32, #tpu.memory_space<hbm>>
    %dma_wait3A_634 = arith.constant 1024 : i32
    %dma_wait3A_635 = tpu.memref_slice %arg5[%add3A_558, %dma_wait3A_634] : memref<2048x2176xf32, #tpu.memory_space<hbm>> -> memref<16x1024xf32, #tpu.memory_space<hbm>>
    %dma_wait3A_636 = arith.constant 0 : i32
    %dma_wait3A_637 = arith.constant 1024 : i32
    %dma_wait3A_638 = tpu.memref_slice %arg10[%dma_wait3A_636, %dma_wait3A_637] : memref<16x2176xf32, #tpu.memory_space<vmem>> -> memref<16x1024xf32, #tpu.memory_space<vmem>>
    tpu.wait_dma2 semaphore(%arg22 : memref<!tpu.dma_semaphore, #tpu.memory_space<semaphore_mem>>) src(%dma_wait3A_638 : memref<16x1024xf32, #tpu.memory_space<vmem>>) dst(%dma_wait3A_635 : memref<16x1024xf32, #tpu.memory_space<hbm>>)
    %dma_wait3A_639 = arith.constant 0 : i32
    %dma_wait3A_640 = arith.constant 2048 : i32
    %dma_wait3A_641 = tpu.memref_slice %arg10[%dma_wait3A_639, %dma_wait3A_640] : memref<16x2176xf32, #tpu.memory_space<vmem>> -> memref<16x128xf32, #tpu.memory_space<vmem>>
    %dma_wait3A_642 = arith.constant 2048 : i32
    %dma_wait3A_643 = tpu.memref_slice %arg5[%add3A_558, %dma_wait3A_642] : memref<2048x2176xf32, #tpu.memory_space<hbm>> -> memref<16x128xf32, #tpu.memory_space<hbm>>
    %dma_wait3A_644 = arith.constant 2048 : i32
    %dma_wait3A_645 = tpu.memref_slice %arg5[%add3A_558, %dma_wait3A_644] : memref<2048x2176xf32, #tpu.memory_space<hbm>> -> memref<16x128xf32, #tpu.memory_space<hbm>>
    %dma_wait3A_646 = arith.constant 0 : i32
    %dma_wait3A_647 = arith.constant 2048 : i32
    %dma_wait3A_648 = tpu.memref_slice %arg10[%dma_wait3A_646, %dma_wait3A_647] : memref<16x2176xf32, #tpu.memory_space<vmem>> -> memref<16x128xf32, #tpu.memory_space<vmem>>
    tpu.wait_dma2 semaphore(%arg22 : memref<!tpu.dma_semaphore, #tpu.memory_space<semaphore_mem>>) src(%dma_wait3A_648 : memref<16x128xf32, #tpu.memory_space<vmem>>) dst(%dma_wait3A_645 : memref<16x128xf32, #tpu.memory_space<hbm>>)
    %dma_wait3A_649 = arith.constant 0 : i32
    %dma_wait3A_650 = arith.constant 0 : i32
    %dma_wait3A_651 = tpu.memref_slice %arg11[%dma_wait3A_649, %dma_wait3A_650] : memref<16x2176xf32, #tpu.memory_space<vmem>> -> memref<16x1024xf32, #tpu.memory_space<vmem>>
    %dma_wait3A_652 = arith.constant 0 : i32
    %dma_wait3A_653 = tpu.memref_slice %arg5[%add3A_434, %dma_wait3A_652] : memref<2048x2176xf32, #tpu.memory_space<hbm>> -> memref<16x1024xf32, #tpu.memory_space<hbm>>
    %dma_wait3A_654 = arith.constant 0 : i32
    %dma_wait3A_655 = tpu.memref_slice %arg5[%add3A_434, %dma_wait3A_654] : memref<2048x2176xf32, #tpu.memory_space<hbm>> -> memref<16x1024xf32, #tpu.memory_space<hbm>>
    %dma_wait3A_656 = arith.constant 0 : i32
    %dma_wait3A_657 = arith.constant 0 : i32
    %dma_wait3A_658 = tpu.memref_slice %arg11[%dma_wait3A_656, %dma_wait3A_657] : memref<16x2176xf32, #tpu.memory_space<vmem>> -> memref<16x1024xf32, #tpu.memory_space<vmem>>
    tpu.wait_dma2 semaphore(%arg23 : memref<!tpu.dma_semaphore, #tpu.memory_space<semaphore_mem>>) src(%dma_wait3A_658 : memref<16x1024xf32, #tpu.memory_space<vmem>>) dst(%dma_wait3A_655 : memref<16x1024xf32, #tpu.memory_space<hbm>>)
    %dma_wait3A_659 = arith.constant 0 : i32
    %dma_wait3A_660 = arith.constant 1024 : i32
    %dma_wait3A_661 = tpu.memref_slice %arg11[%dma_wait3A_659, %dma_wait3A_660] : memref<16x2176xf32, #tpu.memory_space<vmem>> -> memref<16x1024xf32, #tpu.memory_space<vmem>>
    %dma_wait3A_662 = arith.constant 1024 : i32
    %dma_wait3A_663 = tpu.memref_slice %arg5[%add3A_434, %dma_wait3A_662] : memref<2048x2176xf32, #tpu.memory_space<hbm>> -> memref<16x1024xf32, #tpu.memory_space<hbm>>
    %dma_wait3A_664 = arith.constant 1024 : i32
    %dma_wait3A_665 = tpu.memref_slice %arg5[%add3A_434, %dma_wait3A_664] : memref<2048x2176xf32, #tpu.memory_space<hbm>> -> memref<16x1024xf32, #tpu.memory_space<hbm>>
    %dma_wait3A_666 = arith.constant 0 : i32
    %dma_wait3A_667 = arith.constant 1024 : i32
    %dma_wait3A_668 = tpu.memref_slice %arg11[%dma_wait3A_666, %dma_wait3A_667] : memref<16x2176xf32, #tpu.memory_space<vmem>> -> memref<16x1024xf32, #tpu.memory_space<vmem>>
    tpu.wait_dma2 semaphore(%arg23 : memref<!tpu.dma_semaphore, #tpu.memory_space<semaphore_mem>>) src(%dma_wait3A_668 : memref<16x1024xf32, #tpu.memory_space<vmem>>) dst(%dma_wait3A_665 : memref<16x1024xf32, #tpu.memory_space<hbm>>)
    %dma_wait3A_669 = arith.constant 0 : i32
    %dma_wait3A_670 = arith.constant 2048 : i32
    %dma_wait3A_671 = tpu.memref_slice %arg11[%dma_wait3A_669, %dma_wait3A_670] : memref<16x2176xf32, #tpu.memory_space<vmem>> -> memref<16x128xf32, #tpu.memory_space<vmem>>
    %dma_wait3A_672 = arith.constant 2048 : i32
    %dma_wait3A_673 = tpu.memref_slice %arg5[%add3A_434, %dma_wait3A_672] : memref<2048x2176xf32, #tpu.memory_space<hbm>> -> memref<16x128xf32, #tpu.memory_space<hbm>>
    %dma_wait3A_674 = arith.constant 2048 : i32
    %dma_wait3A_675 = tpu.memref_slice %arg5[%add3A_434, %dma_wait3A_674] : memref<2048x2176xf32, #tpu.memory_space<hbm>> -> memref<16x128xf32, #tpu.memory_space<hbm>>
    %dma_wait3A_676 = arith.constant 0 : i32
    %dma_wait3A_677 = arith.constant 2048 : i32
    %dma_wait3A_678 = tpu.memref_slice %arg11[%dma_wait3A_676, %dma_wait3A_677] : memref<16x2176xf32, #tpu.memory_space<vmem>> -> memref<16x128xf32, #tpu.memory_space<vmem>>
    tpu.wait_dma2 semaphore(%arg23 : memref<!tpu.dma_semaphore, #tpu.memory_space<semaphore_mem>>) src(%dma_wait3A_678 : memref<16x128xf32, #tpu.memory_space<vmem>>) dst(%dma_wait3A_675 : memref<16x128xf32, #tpu.memory_space<hbm>>)
    %dma_wait3A_679 = arith.constant 0 : i32
    %dma_wait3A_680 = arith.constant 0 : i32
    %dma_wait3A_681 = tpu.memref_slice %arg12[%dma_wait3A_679, %dma_wait3A_680] : memref<16x2176xf32, #tpu.memory_space<vmem>> -> memref<16x1024xf32, #tpu.memory_space<vmem>>
    %dma_wait3A_682 = arith.constant 0 : i32
    %dma_wait3A_683 = tpu.memref_slice %arg5[%add3A_496, %dma_wait3A_682] : memref<2048x2176xf32, #tpu.memory_space<hbm>> -> memref<16x1024xf32, #tpu.memory_space<hbm>>
    %dma_wait3A_684 = arith.constant 0 : i32
    %dma_wait3A_685 = tpu.memref_slice %arg5[%add3A_496, %dma_wait3A_684] : memref<2048x2176xf32, #tpu.memory_space<hbm>> -> memref<16x1024xf32, #tpu.memory_space<hbm>>
    %dma_wait3A_686 = arith.constant 0 : i32
    %dma_wait3A_687 = arith.constant 0 : i32
    %dma_wait3A_688 = tpu.memref_slice %arg12[%dma_wait3A_686, %dma_wait3A_687] : memref<16x2176xf32, #tpu.memory_space<vmem>> -> memref<16x1024xf32, #tpu.memory_space<vmem>>
    tpu.wait_dma2 semaphore(%arg24 : memref<!tpu.dma_semaphore, #tpu.memory_space<semaphore_mem>>) src(%dma_wait3A_688 : memref<16x1024xf32, #tpu.memory_space<vmem>>) dst(%dma_wait3A_685 : memref<16x1024xf32, #tpu.memory_space<hbm>>)
    %dma_wait3A_689 = arith.constant 0 : i32
    %dma_wait3A_690 = arith.constant 1024 : i32
    %dma_wait3A_691 = tpu.memref_slice %arg12[%dma_wait3A_689, %dma_wait3A_690] : memref<16x2176xf32, #tpu.memory_space<vmem>> -> memref<16x1024xf32, #tpu.memory_space<vmem>>
    %dma_wait3A_692 = arith.constant 1024 : i32
    %dma_wait3A_693 = tpu.memref_slice %arg5[%add3A_496, %dma_wait3A_692] : memref<2048x2176xf32, #tpu.memory_space<hbm>> -> memref<16x1024xf32, #tpu.memory_space<hbm>>
    %dma_wait3A_694 = arith.constant 1024 : i32
    %dma_wait3A_695 = tpu.memref_slice %arg5[%add3A_496, %dma_wait3A_694] : memref<2048x2176xf32, #tpu.memory_space<hbm>> -> memref<16x1024xf32, #tpu.memory_space<hbm>>
    %dma_wait3A_696 = arith.constant 0 : i32
    %dma_wait3A_697 = arith.constant 1024 : i32
    %dma_wait3A_698 = tpu.memref_slice %arg12[%dma_wait3A_696, %dma_wait3A_697] : memref<16x2176xf32, #tpu.memory_space<vmem>> -> memref<16x1024xf32, #tpu.memory_space<vmem>>
    tpu.wait_dma2 semaphore(%arg24 : memref<!tpu.dma_semaphore, #tpu.memory_space<semaphore_mem>>) src(%dma_wait3A_698 : memref<16x1024xf32, #tpu.memory_space<vmem>>) dst(%dma_wait3A_695 : memref<16x1024xf32, #tpu.memory_space<hbm>>)
    %dma_wait3A_699 = arith.constant 0 : i32
    %dma_wait3A_700 = arith.constant 2048 : i32
    %dma_wait3A_701 = tpu.memref_slice %arg12[%dma_wait3A_699, %dma_wait3A_700] : memref<16x2176xf32, #tpu.memory_space<vmem>> -> memref<16x128xf32, #tpu.memory_space<vmem>>
    %dma_wait3A_702 = arith.constant 2048 : i32
    %dma_wait3A_703 = tpu.memref_slice %arg5[%add3A_496, %dma_wait3A_702] : memref<2048x2176xf32, #tpu.memory_space<hbm>> -> memref<16x128xf32, #tpu.memory_space<hbm>>
    %dma_wait3A_704 = arith.constant 2048 : i32
    %dma_wait3A_705 = tpu.memref_slice %arg5[%add3A_496, %dma_wait3A_704] : memref<2048x2176xf32, #tpu.memory_space<hbm>> -> memref<16x128xf32, #tpu.memory_space<hbm>>
    %dma_wait3A_706 = arith.constant 0 : i32
    %dma_wait3A_707 = arith.constant 2048 : i32
    %dma_wait3A_708 = tpu.memref_slice %arg12[%dma_wait3A_706, %dma_wait3A_707] : memref<16x2176xf32, #tpu.memory_space<vmem>> -> memref<16x128xf32, #tpu.memory_space<vmem>>
    tpu.wait_dma2 semaphore(%arg24 : memref<!tpu.dma_semaphore, #tpu.memory_space<semaphore_mem>>) src(%dma_wait3A_708 : memref<16x128xf32, #tpu.memory_space<vmem>>) dst(%dma_wait3A_705 : memref<16x128xf32, #tpu.memory_space<hbm>>)
    return
  }
}

</mosaic_0001>

<sc_bundles>
// kernel: kernel.3.cloned.1.call-start
scs
__scs_entry_jumppad:
0x0: {  	(pc) =	sbr.rel $0x88, $3  }
0x1: {  	(tag) =	ssettag $0x0;
	lr =	simm.s32 $0x1  }
0x2: {  	[smem:$0x3F9E] =	sst lr;
	_ =	strace $0xD0000000  }
0x3: {  	_ = 	snop  }
0x4: {  	_ = 	snop  }
0x5: {  	_ = 	snop  }
0x6: {  	_ = 	snop  }
0x7: {  	_ = 	snop  }
__scs_overlays_trampoline_lowered:
0x8: {  	[smem:$0x3FAD] =	sst s0  }
0x9: {  	[smem:$0x3FAE] =	sst s1  }
0xa: {  	[smem:$0x3FAF] =	sst s2  }
0xb: {  	[smem:$0x3FB0] =	sst s3  }
0xc: {  	[smem:$0x3FB1] =	sst s4  }
0xd: {  	[smem:$0x3FB2] =	sst s5  }
0xe: {  	[smem:$0x3FB3] =	sst s6  }
0xf: {  	[smem:$0x3FB4] =	sst s7  }
0x10: {  	[smem:$0x3FB5] =	sst s8  }
0x11: {  	[smem:$0x3FB6] =	sst s9;
	s0 =	simm.s32 @!p0 $0x0  }
0x12: {  	s1 =	sld [smem:$0x3F9C];
	s0 =	simm.s32 @p0 $0x1  }
0x13: {  	[smem:$0x3FB7] =	sst s0;
	s0 =	simm.s32 @!p1 $0x0  }
0x14: {  	s2 =	sld [smem:$0x3F9B];
	s0 =	simm.s32 @p1 $0x1  }
0x15: {  	[smem:$0x3FB8] =	sst s0;
	s0 =	simm.s32 @!p2 $0x0  }
0x16: {  	s3 =	sld [smem:$0x3FDB];
	s0 =	simm.s32 @p2 $0x1  }
0x17: {  	s4 =	simm.s32 $0x1BF5;
	[smem:$0x3FBA] =	sst s0  }
0x18: {  	s0 =	sld [smem:$0x3F9D];
	_ =	swait.ge [sflag:s4], $0x0  }
0x19: {  	s7 =	sld [smem:$0x3F9E]  }
0x1a: {  	s8 =	sadd.s32 $0xFFFFE003, lr  }
0x1b: {  	s9 =	sadd.s32 $0xFFFFFEF7, lr;
	s5 =	simm.s32 $0xFFFFFFFF;
	p2 =	slt.u32 s8, $0xFFFFF086  }
0x1c: {  	p1 =	slt.u32 s9, $0xF7A;
	s5 =	simm.s32 @!p2 $0x0  }
0x1d: {  	s5 =	simm.s32 @p1 $0x1;
	p0 =	seq.s32 s7, s2  }
0x1e: {  	s7 =	smul.u32 @!p0 $0xF7A, s2;
	p2 =	seq.s32 @!p0 s5, $0x0  }
0x1f: {  	s9 =	smul.u32 $0xF7A, s1;
	s8 =	simm.s32 @!p0 $0x1BF5;
	p2 =	por !p2, p0  }
0x20: {  	[sflag:s8] =	ssyncset.s32 @!p0 $0xFFFFF086;
	s6 =	sadd.s32 @!p0 s3, s7;
	s7 =	simm.s32 @!p0 $0x108  }
0x21: {  	s3 =	sadd.s32 s3, s9;
	s6 =	sadd.s32 @!p0 $0x88, s6;
	s7 =	simm.s32 @p2 $0x1082  }
0x22: {  	[simem:s7], [sflag:s8] =	dma.local @!p0 [hbm:s6], $0xF7A  }
0x23: {  	s9 =	sor.u32 $0xD0000000, s2;
	s6 =	simm.s32 $0x108;
	_ =	swait.ge @!p0 [sflag:s8], $0x0  }
0x24: {  	s3 =	sadd.s32 $0x88, s3;
	s6 =	simm.s32 @!p1 $0x1082;
	[sflag:s4] =	ssyncset.s32 $0xFFFFF086  }
0x25: {  	[simem:s6], [sflag:s4] =	dma.local [hbm:s3], $0xF7A  }
0x26: {  	[smem:$0x3F9E] =	sst s1;
	(tag) =	ssettag s2;
	_ =	strace s9  }
0x27: {  	s1 =	sld [smem:$0x3FAE]  }
0x28: {  	s2 =	sld [smem:$0x3FAF]  }
0x29: {  	s4 =	sld [smem:$0x3FB1]  }
0x2a: {  	p0 =	seq.s32 s5, $0x0;
	s5 =	sld [smem:$0x3FB2]  }
0x2b: {  	s6 =	sld [smem:$0x3FB3]  }
0x2c: {  	s7 =	sld [smem:$0x3FB4]  }
0x2d: {  	s3 =	simm.s32 $0x108;
	s8 =	sld [smem:$0x3FB5]  }
0x2e: {  	s3 =	simm.s32 @!p0 $0x1082;
	s9 =	sld [smem:$0x3FB6]  }
0x2f: {  	lr =	sadd.s32 s0, s3;
	s0 =	sld [smem:$0x3FAD]  }
0x30: {  	s3 =	sld [smem:$0x3FB0]  }
0x31: {  	[smem:$0x3FB9] =	sst s10  }
0x32: {  	s10 =	sld [smem:$0x3FB7];
	_ =	sdelay $0x3  }
0x33: {  	p0 =	seq.s32 s10, $0x1;
	s10 =	sld [smem:$0x3FB9];
	_ =	sdelay $0x3  }
0x34: {  	[smem:$0x3FB9] =	sst s10  }
0x35: {  	s10 =	sld [smem:$0x3FB8];
	_ =	sdelay $0x3  }
0x36: {  	p1 =	seq.s32 s10, $0x1;
	s10 =	sld [smem:$0x3FB9];
	_ =	sdelay $0x3  }
0x37: {  	[smem:$0x3FB9] =	sst s10  }
0x38: {  	s10 =	sld [smem:$0x3FBA]  }
0x39: {  	_ = 	snop;
	(pc) =	sbr.ind lr, $3  }
0x3a: {  	_ = 	snop  }
0x3b: {  	_ = 	snop  }
0x3c: {  	p2 =	seq.s32 s10, $0x1;
	s10 =	sld [smem:$0x3FB9]  }
0x3d: {  	_ =	shalt  }
0x3e: {  	_ =	shalt  }
0x3f: {  	_ =	shalt  }
0x40: {  	_ =	shalt  }
0x41: {  	_ =	shalt  }
0x42: {  	_ =	shalt  }
0x43: {  	_ =	shalt  }
0x44: {  	_ =	shalt  }
0x45: {  	_ =	shalt  }
0x46: {  	_ =	shalt  }
0x47: {  	_ =	shalt  }
0x48: {  	_ =	shalt  }
0x49: {  	_ =	shalt  }
0x4a: {  	_ =	shalt  }
0x4b: {  	_ =	shalt  }
0x4c: {  	_ =	shalt  }
0x4d: {  	_ =	shalt  }
0x4e: {  	_ =	shalt  }
0x4f: {  	_ =	shalt  }
0x50: {  	_ =	shalt  }
0x51: {  	_ =	shalt  }
0x52: {  	_ =	shalt  }
0x53: {  	_ =	shalt  }
0x54: {  	_ =	shalt  }
0x55: {  	_ =	shalt  }
0x56: {  	_ =	shalt  }
0x57: {  	_ =	shalt  }
0x58: {  	_ =	shalt  }
0x59: {  	_ =	shalt  }
0x5a: {  	_ =	shalt  }
0x5b: {  	_ =	shalt  }
0x5c: {  	_ =	shalt  }
0x5d: {  	_ =	shalt  }
0x5e: {  	_ =	shalt  }
0x5f: {  	_ =	shalt  }
0x60: {  	_ =	shalt  }
0x61: {  	_ =	shalt  }
0x62: {  	_ =	shalt  }
0x63: {  	_ =	shalt  }
0x64: {  	_ =	shalt  }
0x65: {  	_ =	shalt  }
0x66: {  	_ =	shalt  }
0x67: {  	_ =	shalt  }
0x68: {  	_ =	shalt  }
0x69: {  	_ =	shalt  }
0x6a: {  	_ =	shalt  }
0x6b: {  	_ =	shalt  }
0x6c: {  	_ =	shalt  }
0x6d: {  	_ =	shalt  }
0x6e: {  	_ =	shalt  }
0x6f: {  	_ =	shalt  }
0x70: {  	_ =	shalt  }
0x71: {  	_ =	shalt  }
0x72: {  	_ =	shalt  }
0x73: {  	_ =	shalt  }
0x74: {  	_ =	shalt  }
0x75: {  	_ =	shalt  }
0x76: {  	_ =	shalt  }
0x77: {  	_ =	shalt  }
0x78: {  	_ =	shalt  }
0x79: {  	_ =	shalt  }
0x7a: {  	_ =	shalt  }
0x7b: {  	_ =	shalt  }
0x7c: {  	_ =	shalt  }
0x7d: {  	_ =	shalt  }
0x7e: {  	_ =	shalt  }
0x7f: {  	_ =	shalt  }
0x80: {  	_ =	shalt  }
0x81: {  	_ =	shalt  }
0x82: {  	_ =	shalt  }
0x83: {  	_ =	shalt  }
0x84: {  	_ =	shalt  }
0x85: {  	_ =	shalt  }
0x86: {  	_ =	shalt  }
0x87: {  	_ =	shalt  }
.Lfunc_end0:
.L_simem_size_0:
called_computation_lowered:
.L_overlay_start_0:
0x88: {  	s2 =	sld [smem:$0x3FD9]  }
0x89: {  	s3 =	sld [smem:$0x3FFE];
	_ =	sdelay $0x1  }
0x8a: {  	s1 =	srdreg.scid  }
0x8b: {  	s0 =	sand.u32 $0x1, s1  }
0x8c: {  	s17 =	sshll.u32 s0, $0xA;
	s2 =	sadd.s32 s3, s2  }
0x8d: {  	s2 =	sadd.s32 s2, s17  }
0x8e: {  	[smem:$0x3FC5] =	sst s2  }
0x8f: {  	_ = 	snop  }
0x90: {  	s2 =	sld [smem:$0x3FC9]  }
0x91: {  	s18 =	sld [smem:$0x3FC7]  }
0x92: {  	s4 =	sld [smem:$0x3FD0];
	(tm) =	ssettm $0x1  }
0x93: {  	s5 =	sld [smem:$0x3FFB];
	_ =	sdelay $0x3  }
0x94: {  	_ =	strace s5  }
0x95: {  	s5 =	sld [smem:$0x3FFC];
	_ =	sdelay $0x3  }
0x96: {  	_ =	strace s5  }
0x97: {  	s5 =	sld [smem:$0x3FFD];
	_ =	sdelay $0x3  }
0x98: {  	_ =	strace s5  }
0x99: {  	_ =	strace $0x8FFFFFFF  }
0x9a: {  	s19 =	sld [smem:$0x3FDB];
	_ =	sdelay $0x1  }
0x9b: {  	s6 =	simm.s32 $_scs_section_size  }
0x9c: {  	s7 =	simm.s32 $_size__tile_overlayer_lowered;
	s8 =	simm.s32 $_tile_overlayer_lowered  }
0x9d: {  	s22 =	simm.s32 $0x1BFF;
	s21 =	sshll.u32 s8, $0x1;
	s5 =	sadd.s32 s6, s19  }
0x9e: {  	s9 =	simm.s32 $0x0;
	s20 =	sshll.u32 s7, $0x1;
	s7 =	sadd.s32 s21, s5  }
0x9f: {  	[timem:s9], [sflag:s22] =	dma.local [hbm:s7], s20  }
0xa0: {  	_ =	swait.ge [sflag:s22], s20  }
0xa1: {  	s6 =	ssub.s32 $0x0, s20;
	[sflag:s22] =	ssyncset.done $0x0  }
0xa2: {  	[sflag:s22] =	ssyncadd.s32 s6;
	_ =	sdelay $0x1  }
0xa3: {  	s23 =	simm.s32 $0x1B8B  }
0xa4: {  	_ =	swait.ge [sflag:s23], $0x1  }
0xa5: {  	[sflag:s23] =	ssyncset.done $0x0  }
0xa6: {  	s25 =	simm.s32 $0x1B8E;
	s24 =	sld [smem:$0x3FFE];
	[sflag:s23] =	ssyncadd.s32 $0xFFFFFFFF  }
0xa7: {  	s26 =	simm.s32 $execute0_lowered;
	[smem:$0x3FD2] =	sst s25  }
0xa8: {  	s7 =	sshll.u32 s26, $0x1;
	_ =	strace $0x80000046;
	[dreg:$0x1] =	wrdreg $0xFFFFFFFF  }
0xa9: {  	s28 =	simm.s32 $_size_execute0_lowered;
	s5 =	sadd.s32 s5, s7;
	[dreg:$0x0] =	wrdreg $0x0  }
0xaa: {  	s7 =	sshll.u32 s28, $0x1;
	[dreg:$0x2] =	wrdreg s5  }
0xab: {  	[dreg:$0x3] =	wrdreg s7  }
0xac: {  	[dreg:$0x4] =	wrdreg $0xC0  }
0xad: {  	_ =	task [dreg:s9], $0x5FFFF  }
0xae: {  	[dreg:$0x1] =	wrdreg $0xFFFFFFFF  }
0xaf: {  	[dreg:$0x0] =	wrdreg $0x60  }
0xb0: {  	[dreg:$0x2] =	wrdreg s2  }
0xb1: {  	[dreg:$0x3] =	wrdreg s24  }
0xb2: {  	[dreg:$0x4] =	wrdreg s18  }
0xb3: {  	[dreg:$0x5] =	wrdreg s4  }
0xb4: {  	[dreg:$0x6] =	wrdreg $0x9  }
0xb5: {  	_ =	task.clear_ibuf [dreg:s9], $0x7FFFF;
	_ =	strace $0x90000046  }
0xb6: {  	s29 =	simm.s32 $0x9;
	_ =	strace $0x80000048  }
0xb7: {  	_ =	swait.ge [sflag:s29], $0x1  }
0xb8: {  	[sflag:s29] =	ssyncadd.s32 $0xFFFFFFFF  }
0xb9: {  	_ =	strace $0x90000048  }
0xba: {  	_ =	sfence  }
0xbb: {  	s30 =	sld [smem:$0x0];
	_ =	sdelay $0x2  }
0xbc: {  	s31 =	sshll.u32 s1, $0xD;
	s1 =	sshrl.u32 s1, $0x2  }
0xbd: {  	s3 =	sand.u32 $0x4000, s31;
	s1 =	sadd.s32 s1, s30  }
0xbe: {  	s0 =	sor.u32 s3, s0;
	s1 =	sshll.u32 s1, $0x11  }
0xbf: {  	s0 =	sor.u32 s1, s0  }
0xc0: {  	s0 =	sadd.s32 $0x8F2B, s0  }
0xc1: {  	[sflag:s0] =	ssyncadd.remote.s32 $0x1  }
0xc2: {  	_ =	sfence.sel $0xFFFF  }
0xc3: {  	[dreg:$0x0] =	wrdreg $0xFFFFFFFF;
	(pc) =	sbr.abs _section_cstart, $3  }
0xc4: {  	[dreg:$0x1] =	wrdreg $0xFFFFFFFF  }
0xc5: {  	_ =	task.clear_ibuf [dreg:s9], $0x2FFFF;
	_ =	strace $0x9FFFFFFF  }
0xc6: {  	(tm) =	ssettm $0x7FFFFFFF  }
0xc7: {  	_ =	shalt  }
tec
execute0_lowered:
.L_overlay_start_1:
0x0: {  	(tag) =	ssettag $0x1  }
0x1: {  	s1 =	rddreg [dreg:$0x0]  }
0x2: {  	s2 =	srdreg.scid;
	s6 =	stileid.u32  }
0x3: {  	s0 =	rddreg [dreg:$0x1];
	s2 =	sand.u32 $0x1, s2;
	s4 =	sshll.u32 s6, $0x1  }
0x4: {  	s3 =	rddreg [dreg:$0x3];
	s7 =	sor.u32 s2, s4;
	s4 =	simm.s32 $0x0  }
0x5: {  	s12 =	simm.s32 $0x9680;
	[smem:$0x7FF] =	sst s4  }
0x6: {  	s13 =	simm.s32 $0x9E80;
	_ =	strace $0x80000047;
	[dreg:$0x6] =	wrdreg s12  }
0x7: {  	s15 =	simm.s32 $0xA680;
	[dreg:$0x7] =	wrdreg s13  }
0x8: {  	s16 =	simm.s32 $0xDA80;
	[dreg:$0x8] =	wrdreg s15  }
0x9: {  	s9 =	simm.s32 $0xE280;
	[dreg:$0x9] =	wrdreg s16  }
0xa: {  	s17 =	simm.s32 $0xEA80;
	[dreg:$0xa] =	wrdreg s9  }
0xb: {  	s18 =	simm.s32 $0xB680;
	[dreg:$0xb] =	wrdreg s17  }
0xc: {  	s19 =	simm.s32 $0xBE80;
	[dreg:$0xc] =	wrdreg s18  }
0xd: {  	s20 =	simm.s32 $0xC680;
	s21 =	simm.s32 $0xFA80;
	[dreg:$0xd] =	wrdreg s19  }
0xe: {  	s8 =	simm.s32 $0x10280;
	s24 =	simm.s32 $0x10A80;
	[dreg:$0xe] =	wrdreg s20  }
0xf: {  	s26 =	simm.s32 $0x11E80;
	s29 =	simm.s32 $0xB;
	[dreg:$0xf] =	wrdreg s21  }
0x10: {  	s31 =	simm.s32 $0x4A80;
	s2 =	ssub.s32 $0x2, s2;
	[dreg:$0x10] =	wrdreg s8  }
0x11: {  	s30 =	simm.s32 $0x6A80;
	s11 =	sshrl.u32 s2, $0x1;
	[dreg:$0x11] =	wrdreg s24  }
0x12: {  	s2 =	ssub.s32 s2, s11;
	[dreg:$0x12] =	wrdreg s26;
	s11 =	simm.s32 $0x12680  }
0x13: {  	s28 =	simm.s32 $0x8A80;
	s13 =	simm.s32 $0x12E80;
	[dreg:$0x13] =	wrdreg s11  }
0x14: {  	s14 =	sshll.u32 s6, $0x9;
	s15 =	simm.s32 $0x16280;
	[dreg:$0x14] =	wrdreg s13  }
0x15: {  	s6 =	sadd.s32 $0x200, s1;
	s17 =	simm.s32 $0x16A80;
	[dreg:$0x15] =	wrdreg s15  }
0x16: {  	s5 =	sshll.u32 s7, $0x4;
	s19 =	simm.s32 $0x17280;
	[dreg:$0x16] =	wrdreg s17  }
0x17: {  	s10 =	smul.u32 $0x22000, s7;
	s21 =	simm.s32 $0x13E80;
	[dreg:$0x17] =	wrdreg s19  }
0x18: {  	s7 =	sadd.s32 $0x300, s1;
	s24 =	simm.s32 $0x18280;
	[dreg:$0x18] =	wrdreg s21  }
0x19: {  	s0 =	sadd.s32 s5, s0;
	s26 =	simm.s32 $0x19280;
	[dreg:$0x1b] =	wrdreg s24  }
0x1a: {  	s5 =	sadd.s32 $0x100, s1;
	s0 =	sadd.s32 $0x400, s0;
	[dreg:$0x1d] =	wrdreg s26  }
0x1b: {  	s10 =	sshrl.u32 s10, $0x3;
	s21 =	simm.s32 $0x14E80;
	[dreg:$0x5] =	wrdreg s0  }
0x1c: {  	s8 =	simm.s32 $0xF280;
	s3 =	sadd.s32 s3, s10;
	[dreg:$0x1a] =	wrdreg s21  }
0x1d: {  	s26 =	simm.s32 $0x680;
	s22 =	sadd.s32 $0x400, s3;
	[smem:$0x7FC] =	sst s3  }
0x1e: {  	s24 =	simm.s32 $0x2680;
	s23 =	sadd.s32 $0x800, s3;
	[dreg:$0x1e] =	wrdreg s22  }
0x1f: {  	s11 =	simm.s32 $0xCE80;
	s25 =	sadd.s32 $0x1100, s3;
	[dreg:$0x1f] =	wrdreg s23  }
0x20: {  	s13 =	simm.s32 $0x11680;
	s10 =	sadd.s32 $0x1500, s3;
	[smem:$0x7F4] =	sst s25  }
0x21: {  	s15 =	simm.s32 $0x13680;
	s12 =	sadd.s32 $0x1900, s3;
	[smem:$0x7F5] =	sst s10  }
0x22: {  	s0 =	sand.u32 $0x1800, s14;
	s14 =	sadd.s32 $0x2200, s3;
	[smem:$0x7F6] =	sst s12  }
0x23: {  	s17 =	simm.s32 $0x19A80;
	s16 =	sadd.s32 $0x2600, s3;
	[smem:$0x7F7] =	sst s14  }
0x24: {  	s19 =	simm.s32 $0x2;
	s18 =	sadd.s32 $0x2A00, s3;
	[smem:$0x7F8] =	sst s16  }
0x25: {  	s21 =	simm.s32 $0xC;
	s20 =	sadd.s32 $0x3300, s3;
	[smem:$0x7F9] =	sst s18  }
0x26: {  	v2 =	vmov s0;
	s0 =	simm.s32 $0xA;
	[smem:$0x7FA] =	sst s20;
	s22 =	sadd.s32 $0x3700, s3  }
0x27: {  	v5 =	vlaneseq.u32;
	s20 =	simm.s32 $0x14680;
	s23 =	sadd.s32 $0x3B00, s3;
	s25 =	simm.s32 $0x18A80  }
0x28: {  	v0 =	vand.u32 $0x7, v5;
	s3 =	simm.s32 $0xAE80;
	s12 =	simm.s32 $0x11280;
	[smem:$0x7FB] =	sst s22  }
0x29: {  	v1 =	vmul.u32 $0x2, v0;
	s14 =	simm.s32 $0x15A80;
	s16 =	simm.s32 $0x17A80;
	[smem:$0x7FD] =	sst s23  }
0x2a: {  	vm0 =	vmmov $0xff;
	vm1 =	vmmov $0xffff;
	v4 =	vshrl.u32 v5, $0x3;
	s18 =	simm.s32 $0x1;
	[dreg:$0x19] =	wrdreg s20;
	s20 =	smax.u32 s2, $0x1  }
0x2b: {  	v5 =	vor.u32 $0x8, v5;
	v4 =	vmul.u32 $0x8, v4;
	v3 =	vor.u32 $0x1, v1;
	[dreg:$0x1c] =	wrdreg s25;
	s25 =	simm.s32 $0x4680;
	s22 =	simm.s32 $0x3  }
.LBB2_1:
0x2c: {  	s9 =	rddreg [dreg:$0x5];
	s10 =	simm.s32 $0xD  }
0x2d: {  	[tilespmem:s4], [sflag:$0xD] =	stream.linear.gather [hbm4b:s9+s4], $0x80, $0x38;
	[tilespmem:$0x19E80] =	vst v63  }
0x2e: {  	_ =	swait.ge [sflag:s10], $0x80  }
0x2f: {  	[sflag:s10] =	ssyncset.done $0x0  }
0x30: {  	[sflag:s10] =	ssyncadd.s32 $0xFFFFFF80  }
0x31: {  	v6 =	vld [tilespmem:$0x0]  }
0x32: {  	v7 =	vld [tilespmem:$0x10];
	_ =	sdelay $0x2  }
0x33: {  	v8 =	vld [tilespmem:$0x20]  }
0x34: {  	v11 =	vld [tilespmem:$0x30]  }
0x35: {  	v12 =	vld [tilespmem:$0x40];
	v9 =	vperm.xlane v6, v1;
	v10 =	vperm.xlane v7, v1  }
0x36: {  	v44 =	vld [tilespmem:$0x50]  }
0x37: {  	v9 =	vsel vm0, v9, v10  }
0x38: {  	v16 =	vld [tilespmem:$0x60];
	v6 =	vperm.xlane v6, v3;
	v13 =	vadd.s32 v2, v9  }
0x39: {  	v7 =	vperm.xlane v7, v3;
	v45 =	vperm.xlane v8, v1;
	[tilespmem:$0x80] =	vst v13  }
0x3a: {  	v14 =	vperm.xlane v11, v1;
	v46 =	vperm.xlane v11, v3;
	v15 =	vld [tilespmem:$0x80]  }
0x3b: {  	v48 =	vperm.xlane v12, v1;
	v49 =	vperm.xlane v44, v1  }
0x3c: {  	v50 =	vld [tilespmem:$0x70];
	v52 =	vperm.xlane v12, v3;
	v6 =	vsel vm0, v6, v7;
	v7 =	vperm.xlane v8, v3  }
0x3d: {  	v55 =	vperm.xlane v16, v1;
	v9 =	vsub.s32 v6, v9;
	v6 =	vadd.s32 v2, v6  }
0x3e: {  	v47 =	vsel vm0, v45, v14;
	v10 =	vperm.xlane v44, v3;
	v7 =	vsel vm0, v7, v46;
	[tilespmem:$0x280] =	vst v6  }
0x3f: {  	v51 =	vadd.s32 v2, v47;
	[tilespmem:$0x480] =	vst v9;
	v11 =	vsub.s32 v7, v47;
	v53 =	vshll.u32 v15, $0x3  }
0x40: {  	[tilespmem:$0x100] =	vst v51;
	v7 =	vadd.s32 v2, v7;
	v54 =	vand.u32 $0x7, v15;
	v12 =	vand.u32 $0xFFFFFFC0, v53  }
0x41: {  	v58 =	vperm.xlane v50, v1;
	v6 =	vsel vm0, v48, v49;
	[tilespmem:$0x300] =	vst v7;
	v56 =	vor.u32 v54, v12  }
0x42: {  	v57 =	vadd.s32 v2, v6;
	v7 =	vsel vm0, v52, v10;
	[tilespmem:$0x500] =	vst v11;
	v13 =	vperm.xlane v56, v0  }
0x43: {  	v60 =	vperm.xlane v16, v3;
	v8 =	vperm.xlane v50, v3;
	[tilespmem:$0x180] =	vst v57;
	v59 =	vadd.s32 v2, v7  }
0x44: {  	v6 =	vsub.s32 v7, v6;
	v7 =	vsel vm0, v55, v58;
	[tilespmem:$0x380] =	vst v59;
	v61 =	vadd.s32 v4, v13  }
0x45: {  	[tilespmem:$0x580] =	vst v6;
	v6 =	vsel vm0, v60, v8;
	v62 =	vadd.s32 v2, v7  }
0x46: {  	[tilespmem:$0x200] =	vst v62;
	v63 =	vadd.s32 v2, v6  }
0x47: {  	v6 =	vsub.s32 v6, v7;
	[tilespmem:$0x400] =	vst v63  }
0x48: {  	[tilespmem:$0x600] =	vst v6  }
0x49: {  	[tilespmem:s26], [sflag:$0x1] =	stream.indirect_vreg.gather [hbm4b:s1+s4], $0x80, v61, vm1, $0xb8;
	[tilespmem:$0x19E80] =	vst v63  }
0x4a: {  	s2 =	simm.s32 $0xE80;
	v6 =	vperm.xlane v56, v5  }
0x4b: {  	[tilespmem:s2], [sflag:$0x1] =	stream.indirect_vreg.gather [hbm4b:s5+s4], $0x80, v61, vm1, $0xb8;
	[tilespmem:$0x19E80] =	vst v63  }
0x4c: {  	s23 =	simm.s32 $0x1680;
	v6 =	vadd.s32 v4, v6  }
0x4d: {  	[tilespmem:s23], [sflag:$0x1] =	stream.indirect_vreg.gather [hbm4b:s6+s4], $0x80, v61, vm1, $0xb8;
	[tilespmem:$0x19E80] =	vst v63  }
0x4e: {  	s9 =	simm.s32 $0x1E80  }
0x4f: {  	[tilespmem:s9], [sflag:$0x1] =	stream.indirect_vreg.gather [hbm4b:s7+s4], $0x80, v61, vm1, $0xb8;
	[tilespmem:$0x19E80] =	vst v63  }
0x50: {  	_ = 	snop  }
0x51: {  	[tilespmem:s31], [sflag:$0x1] =	stream.indirect_vreg.gather [hbm4b:s1+s4], $0x80, v6, vm1, $0xb8;
	[tilespmem:$0x19E80] =	vst v63  }
0x52: {  	s10 =	simm.s32 $0x5280  }
0x53: {  	[tilespmem:s10], [sflag:$0x1] =	stream.indirect_vreg.gather [hbm4b:s5+s4], $0x80, v6, vm1, $0xb8;
	[tilespmem:$0x19E80] =	vst v63  }
0x54: {  	s23 =	simm.s32 $0x5A80  }
0x55: {  	[tilespmem:s23], [sflag:$0x1] =	stream.indirect_vreg.gather [hbm4b:s6+s4], $0x80, v6, vm1, $0xb8;
	[tilespmem:$0x19E80] =	vst v63  }
0x56: {  	s9 =	simm.s32 $0x6280  }
0x57: {  	[tilespmem:s9], [sflag:$0x1] =	stream.indirect_vreg.gather [hbm4b:s7+s4], $0x80, v6, vm1, $0xb8;
	[tilespmem:$0x19E80] =	vst v63  }
0x58: {  	v6 =	vld [tilespmem:$0x280];
	_ =	sdelay $0x4  }
0x59: {  	v7 =	vshll.u32 v6, $0x3  }
0x5a: {  	v6 =	vand.u32 $0x7, v6;
	v7 =	vand.u32 $0xFFFFFFC0, v7  }
0x5b: {  	v6 =	vor.u32 v6, v7  }
0x5c: {  	v7 =	vperm.xlane v6, v0;
	_ =	sdelay $0x1  }
0x5d: {  	v7 =	vadd.s32 v4, v7;
	_ =	sdelay $0x4  }
0x5e: {  	[tilespmem:s24], [sflag:$0x2] =	stream.indirect_vreg.gather [hbm4b:s1+s4], $0x80, v7, vm1, $0xb8;
	[tilespmem:$0x19E80] =	vst v63  }
0x5f: {  	s10 =	simm.s32 $0x2E80;
	v6 =	vperm.xlane v6, v5  }
0x60: {  	[tilespmem:s10], [sflag:$0x2] =	stream.indirect_vreg.gather [hbm4b:s5+s4], $0x80, v7, vm1, $0xb8;
	[tilespmem:$0x19E80] =	vst v63  }
0x61: {  	s23 =	simm.s32 $0x3680;
	v6 =	vadd.s32 v4, v6  }
0x62: {  	[tilespmem:s23], [sflag:$0x2] =	stream.indirect_vreg.gather [hbm4b:s6+s4], $0x80, v7, vm1, $0xb8;
	[tilespmem:$0x19E80] =	vst v63  }
0x63: {  	s9 =	simm.s32 $0x3E80  }
0x64: {  	[tilespmem:s9], [sflag:$0x2] =	stream.indirect_vreg.gather [hbm4b:s7+s4], $0x80, v7, vm1, $0xb8;
	[tilespmem:$0x19E80] =	vst v63  }
0x65: {  	_ = 	snop  }
0x66: {  	[tilespmem:s30], [sflag:$0x2] =	stream.indirect_vreg.gather [hbm4b:s1+s4], $0x80, v6, vm1, $0xb8;
	[tilespmem:$0x19E80] =	vst v63  }
0x67: {  	s10 =	simm.s32 $0x7280  }
0x68: {  	[tilespmem:s10], [sflag:$0x2] =	stream.indirect_vreg.gather [hbm4b:s5+s4], $0x80, v6, vm1, $0xb8;
	[tilespmem:$0x19E80] =	vst v63  }
0x69: {  	s23 =	simm.s32 $0x7A80  }
0x6a: {  	[tilespmem:s23], [sflag:$0x2] =	stream.indirect_vreg.gather [hbm4b:s6+s4], $0x80, v6, vm1, $0xb8;
	[tilespmem:$0x19E80] =	vst v63  }
0x6b: {  	s9 =	simm.s32 $0x8280  }
0x6c: {  	[tilespmem:s9], [sflag:$0x2] =	stream.indirect_vreg.gather [hbm4b:s7+s4], $0x80, v6, vm1, $0xb8;
	[tilespmem:$0x19E80] =	vst v63  }
0x6d: {  	v6 =	vld [tilespmem:$0x480];
	_ =	sdelay $0x4  }
0x6e: {  	v7 =	vperm.xlane v6, v0;
	_ =	sdelay $0x1  }
0x6f: {  	v6 =	vperm.xlane v6, v5;
	v7 =	vadd.s32 v4, v7;
	_ =	sdelay $0x1  }
0x70: {  	v6 =	vadd.s32 v4, v6;
	_ =	sdelay $0x1  }
0x71: {  	s23 =	rddreg [dreg:$0x2]  }
0x72: {  	[tilespmem:s25], [sflag:$0x3] =	stream.indirect_vreg.gather [hbm4b:s23+s4], $0x80, v7, vm0, $0xb8;
	[tilespmem:$0x19E80] =	vst v63  }
0x73: {  	_ = 	snop  }
0x74: {  	[tilespmem:s28], [sflag:$0x3] =	stream.indirect_vreg.gather [hbm4b:s23+s4], $0x80, v6, vm0, $0xb8;
	[tilespmem:$0x19E80] =	vst v63  }
0x75: {  	v6 =	vld [tilespmem:$0x100];
	_ =	sdelay $0x4  }
0x76: {  	v7 =	vshll.u32 v6, $0x3  }
0x77: {  	v6 =	vand.u32 $0x7, v6;
	v7 =	vand.u32 $0xFFFFFFC0, v7  }
0x78: {  	v6 =	vor.u32 v6, v7  }
0x79: {  	v7 =	vperm.xlane v6, v0;
	_ =	sdelay $0x1  }
0x7a: {  	v7 =	vadd.s32 v4, v7;
	_ =	sdelay $0x3  }
0x7b: {  	s10 =	simm.s32 $0x8E80  }
0x7c: {  	[tilespmem:s10], [sflag:$0x4] =	stream.indirect_vreg.gather [hbm4b:s1+s4], $0x80, v7, vm1, $0xb8;
	[tilespmem:$0x19E80] =	vst v63  }
0x7d: {  	s9 =	rddreg [dreg:$0x6];
	v6 =	vperm.xlane v6, v5  }
0x7e: {  	[tilespmem:s9], [sflag:$0x4] =	stream.indirect_vreg.gather [hbm4b:s5+s4], $0x80, v7, vm1, $0xb8;
	[tilespmem:$0x19E80] =	vst v63  }
0x7f: {  	v6 =	vadd.s32 v4, v6;
	s10 =	rddreg [dreg:$0x7]  }
0x80: {  	[tilespmem:s10], [sflag:$0x4] =	stream.indirect_vreg.gather [hbm4b:s6+s4], $0x80, v7, vm1, $0xb8;
	[tilespmem:$0x19E80] =	vst v63  }
0x81: {  	s2 =	rddreg [dreg:$0x8]  }
0x82: {  	[tilespmem:s2], [sflag:$0x4] =	stream.indirect_vreg.gather [hbm4b:s7+s4], $0x80, v7, vm1, $0xb8;
	[tilespmem:$0x19E80] =	vst v63  }
0x83: {  	s2 =	simm.s32 $0xD280  }
0x84: {  	[tilespmem:s2], [sflag:$0x4] =	stream.indirect_vreg.gather [hbm4b:s1+s4], $0x80, v6, vm1, $0xb8;
	[tilespmem:$0x19E80] =	vst v63  }
0x85: {  	s9 =	rddreg [dreg:$0x9]  }
0x86: {  	[tilespmem:s9], [sflag:$0x4] =	stream.indirect_vreg.gather [hbm4b:s5+s4], $0x80, v6, vm1, $0xb8;
	[tilespmem:$0x19E80] =	vst v63  }
0x87: {  	s10 =	rddreg [dreg:$0xa]  }
0x88: {  	[tilespmem:s10], [sflag:$0x4] =	stream.indirect_vreg.gather [hbm4b:s6+s4], $0x80, v6, vm1, $0xb8;
	[tilespmem:$0x19E80] =	vst v63  }
0x89: {  	s9 =	rddreg [dreg:$0xb]  }
0x8a: {  	[tilespmem:s9], [sflag:$0x4] =	stream.indirect_vreg.gather [hbm4b:s7+s4], $0x80, v6, vm1, $0xb8;
	[tilespmem:$0x19E80] =	vst v63  }
0x8b: {  	v6 =	vld [tilespmem:$0x300];
	_ =	sdelay $0x4  }
0x8c: {  	v7 =	vshll.u32 v6, $0x3  }
0x8d: {  	v6 =	vand.u32 $0x7, v6;
	v7 =	vand.u32 $0xFFFFFFC0, v7  }
0x8e: {  	v6 =	vor.u32 v6, v7  }
0x8f: {  	v7 =	vperm.xlane v6, v0;
	_ =	sdelay $0x1  }
0x90: {  	v7 =	vadd.s32 v4, v7;
	_ =	sdelay $0x4  }
0x91: {  	[tilespmem:s3], [sflag:$0x5] =	stream.indirect_vreg.gather [hbm4b:s1+s4], $0x80, v7, vm1, $0xb8;
	[tilespmem:$0x19E80] =	vst v63  }
0x92: {  	s9 =	rddreg [dreg:$0xc];
	v6 =	vperm.xlane v6, v5  }
0x93: {  	[tilespmem:s9], [sflag:$0x5] =	stream.indirect_vreg.gather [hbm4b:s5+s4], $0x80, v7, vm1, $0xb8;
	[tilespmem:$0x19E80] =	vst v63  }
0x94: {  	s10 =	rddreg [dreg:$0xd];
	v6 =	vadd.s32 v4, v6  }
0x95: {  	[tilespmem:s10], [sflag:$0x5] =	stream.indirect_vreg.gather [hbm4b:s6+s4], $0x80, v7, vm1, $0xb8;
	[tilespmem:$0x19E80] =	vst v63  }
0x96: {  	s9 =	rddreg [dreg:$0xe]  }
0x97: {  	[tilespmem:s9], [sflag:$0x5] =	stream.indirect_vreg.gather [hbm4b:s7+s4], $0x80, v7, vm1, $0xb8;
	[tilespmem:$0x19E80] =	vst v63  }
0x98: {  	_ = 	snop  }
0x99: {  	[tilespmem:s8], [sflag:$0x5] =	stream.indirect_vreg.gather [hbm4b:s1+s4], $0x80, v6, vm1, $0xb8;
	[tilespmem:$0x19E80] =	vst v63  }
0x9a: {  	s9 =	rddreg [dreg:$0xf]  }
0x9b: {  	[tilespmem:s9], [sflag:$0x5] =	stream.indirect_vreg.gather [hbm4b:s5+s4], $0x80, v6, vm1, $0xb8;
	[tilespmem:$0x19E80] =	vst v63  }
0x9c: {  	s10 =	rddreg [dreg:$0x10]  }
0x9d: {  	[tilespmem:s10], [sflag:$0x5] =	stream.indirect_vreg.gather [hbm4b:s6+s4], $0x80, v6, vm1, $0xb8;
	[tilespmem:$0x19E80] =	vst v63  }
0x9e: {  	s9 =	rddreg [dreg:$0x11]  }
0x9f: {  	[tilespmem:s9], [sflag:$0x5] =	stream.indirect_vreg.gather [hbm4b:s7+s4], $0x80, v6, vm1, $0xb8;
	[tilespmem:$0x19E80] =	vst v63  }
0xa0: {  	v6 =	vld [tilespmem:$0x500];
	_ =	sdelay $0x4  }
0xa1: {  	v7 =	vperm.xlane v6, v0;
	_ =	sdelay $0x1  }
0xa2: {  	v6 =	vperm.xlane v6, v5;
	v7 =	vadd.s32 v4, v7;
	_ =	sdelay $0x1  }
0xa3: {  	v6 =	vadd.s32 v4, v6;
	_ =	sdelay $0x2  }
0xa4: {  	[tilespmem:s11], [sflag:$0x6] =	stream.indirect_vreg.gather [hbm4b:s23+s4], $0x80, v7, vm0, $0xb8;
	[tilespmem:$0x19E80] =	vst v63  }
0xa5: {  	_ = 	snop  }
0xa6: {  	[tilespmem:s12], [sflag:$0x6] =	stream.indirect_vreg.gather [hbm4b:s23+s4], $0x80, v6, vm0, $0xb8;
	[tilespmem:$0x19E80] =	vst v63  }
0xa7: {  	v6 =	vld [tilespmem:$0x180];
	_ =	sdelay $0x4  }
0xa8: {  	v7 =	vshll.u32 v6, $0x3  }
0xa9: {  	v6 =	vand.u32 $0x7, v6;
	v7 =	vand.u32 $0xFFFFFFC0, v7  }
0xaa: {  	v6 =	vor.u32 v6, v7  }
0xab: {  	v7 =	vperm.xlane v6, v0;
	_ =	sdelay $0x1  }
0xac: {  	v7 =	vadd.s32 v4, v7;
	_ =	sdelay $0x4  }
0xad: {  	[tilespmem:s13], [sflag:$0x7] =	stream.indirect_vreg.gather [hbm4b:s1+s4], $0x80, v7, vm1, $0xb8;
	[tilespmem:$0x19E80] =	vst v63  }
0xae: {  	s9 =	rddreg [dreg:$0x12];
	v6 =	vperm.xlane v6, v5  }
0xaf: {  	[tilespmem:s9], [sflag:$0x7] =	stream.indirect_vreg.gather [hbm4b:s5+s4], $0x80, v7, vm1, $0xb8;
	[tilespmem:$0x19E80] =	vst v63  }
0xb0: {  	s10 =	rddreg [dreg:$0x13];
	v6 =	vadd.s32 v4, v6  }
0xb1: {  	[tilespmem:s10], [sflag:$0x7] =	stream.indirect_vreg.gather [hbm4b:s6+s4], $0x80, v7, vm1, $0xb8;
	[tilespmem:$0x19E80] =	vst v63  }
0xb2: {  	s9 =	rddreg [dreg:$0x14]  }
0xb3: {  	[tilespmem:s9], [sflag:$0x7] =	stream.indirect_vreg.gather [hbm4b:s7+s4], $0x80, v7, vm1, $0xb8;
	[tilespmem:$0x19E80] =	vst v63  }
0xb4: {  	_ = 	snop  }
0xb5: {  	[tilespmem:s14], [sflag:$0x7] =	stream.indirect_vreg.gather [hbm4b:s1+s4], $0x80, v6, vm1, $0xb8;
	[tilespmem:$0x19E80] =	vst v63  }
0xb6: {  	s9 =	rddreg [dreg:$0x15]  }
0xb7: {  	[tilespmem:s9], [sflag:$0x7] =	stream.indirect_vreg.gather [hbm4b:s5+s4], $0x80, v6, vm1, $0xb8;
	[tilespmem:$0x19E80] =	vst v63  }
0xb8: {  	s10 =	rddreg [dreg:$0x16]  }
0xb9: {  	[tilespmem:s10], [sflag:$0x7] =	stream.indirect_vreg.gather [hbm4b:s6+s4], $0x80, v6, vm1, $0xb8;
	[tilespmem:$0x19E80] =	vst v63  }
0xba: {  	s9 =	rddreg [dreg:$0x17]  }
0xbb: {  	[tilespmem:s9], [sflag:$0x7] =	stream.indirect_vreg.gather [hbm4b:s7+s4], $0x80, v6, vm1, $0xb8;
	[tilespmem:$0x19E80] =	vst v63  }
0xbc: {  	v6 =	vld [tilespmem:$0x380];
	_ =	sdelay $0x4  }
0xbd: {  	v7 =	vshll.u32 v6, $0x3  }
0xbe: {  	v6 =	vand.u32 $0x7, v6;
	v7 =	vand.u32 $0xFFFFFFC0, v7  }
0xbf: {  	v6 =	vor.u32 v6, v7  }
0xc0: {  	v7 =	vperm.xlane v6, v0;
	_ =	sdelay $0x1  }
0xc1: {  	v7 =	vadd.s32 v4, v7;
	_ =	sdelay $0x4  }
0xc2: {  	[tilespmem:s15], [sflag:$0x8] =	stream.indirect_vreg.gather [hbm4b:s1+s4], $0x80, v7, vm1, $0xb8;
	[tilespmem:$0x19E80] =	vst v63  }
0xc3: {  	s9 =	rddreg [dreg:$0x18];
	v6 =	vperm.xlane v6, v5  }
0xc4: {  	[tilespmem:s9], [sflag:$0x8] =	stream.indirect_vreg.gather [hbm4b:s5+s4], $0x80, v7, vm1, $0xb8;
	[tilespmem:$0x19E80] =	vst v63  }
0xc5: {  	s10 =	rddreg [dreg:$0x19];
	v6 =	vadd.s32 v4, v6  }
0xc6: {  	[tilespmem:s10], [sflag:$0x8] =	stream.indirect_vreg.gather [hbm4b:s6+s4], $0x80, v7, vm1, $0xb8;
	[tilespmem:$0x19E80] =	vst v63  }
0xc7: {  	s9 =	rddreg [dreg:$0x1a]  }
0xc8: {  	[tilespmem:s9], [sflag:$0x8] =	stream.indirect_vreg.gather [hbm4b:s7+s4], $0x80, v7, vm1, $0xb8;
	[tilespmem:$0x19E80] =	vst v63  }
0xc9: {  	_ = 	snop  }
0xca: {  	[tilespmem:s16], [sflag:$0x8] =	stream.indirect_vreg.gather [hbm4b:s1+s4], $0x80, v6, vm1, $0xb8;
	[tilespmem:$0x19E80] =	vst v63  }
0xcb: {  	s9 =	rddreg [dreg:$0x1b]  }
0xcc: {  	[tilespmem:s9], [sflag:$0x8] =	stream.indirect_vreg.gather [hbm4b:s5+s4], $0x80, v6, vm1, $0xb8;
	[tilespmem:$0x19E80] =	vst v63  }
0xcd: {  	s10 =	rddreg [dreg:$0x1c]  }
0xce: {  	[tilespmem:s10], [sflag:$0x8] =	stream.indirect_vreg.gather [hbm4b:s6+s4], $0x80, v6, vm1, $0xb8;
	[tilespmem:$0x19E80] =	vst v63  }
0xcf: {  	s9 =	rddreg [dreg:$0x1d]  }
0xd0: {  	[tilespmem:s9], [sflag:$0x8] =	stream.indirect_vreg.gather [hbm4b:s7+s4], $0x80, v6, vm1, $0xb8;
	[tilespmem:$0x19E80] =	vst v63  }
0xd1: {  	v6 =	vld [tilespmem:$0x580];
	_ =	sdelay $0x4  }
0xd2: {  	v7 =	vperm.xlane v6, v0;
	_ =	sdelay $0x1  }
0xd3: {  	v6 =	vperm.xlane v6, v5;
	v7 =	vadd.s32 v4, v7;
	_ =	sdelay $0x1  }
0xd4: {  	v6 =	vadd.s32 v4, v6;
	_ =	sdelay $0x1  }
0xd5: {  	s10 =	simm.s32 $0x15680  }
0xd6: {  	[tilespmem:s10], [sflag:$0x9] =	stream.indirect_vreg.gather [hbm4b:s23+s4], $0x80, v7, vm0, $0xb8;
	[tilespmem:$0x19E80] =	vst v63  }
0xd7: {  	_ = 	snop  }
0xd8: {  	[tilespmem:s17], [sflag:$0x9] =	stream.indirect_vreg.gather [hbm4b:s23+s4], $0x80, v6, vm0, $0xb8;
	[tilespmem:$0x19E80] =	vst v63  }
0xd9: {  	_ =	swait.ge [sflag:s18], $0x4000  }
0xda: {  	s9 =	sld [smem:$0x7FC]  }
0xdb: {  	[sflag:s18] =	ssyncset.done $0x0  }
0xdc: {  	[sflag:s18] =	ssyncadd.s32 $0xFFFFC000  }
0xdd: {  	[hbm4b:s9+s4] =	stream.linear.scatter [tilespmem:s26], [sflag:$0xA], $0x2000, $0x38;
	[tilespmem:$0x19E80] =	vst v63  }
0xde: {  	s9 =	sadd.s32 $0x880, s9  }
0xdf: {  	[hbm4b:s9+s4] =	stream.linear.scatter [tilespmem:s31], [sflag:$0xA], $0x2000, $0x38;
	[tilespmem:$0x19E80] =	vst v63  }
0xe0: {  	_ =	swait.ge [sflag:s19], $0x4000  }
0xe1: {  	[sflag:s19] =	ssyncset.done $0x0  }
0xe2: {  	s9 =	rddreg [dreg:$0x1e];
	[sflag:s19] =	ssyncadd.s32 $0xFFFFC000  }
0xe3: {  	[hbm4b:s9+s4] =	stream.linear.scatter [tilespmem:s24], [sflag:$0xA], $0x2000, $0x38;
	[tilespmem:$0x19E80] =	vst v63  }
0xe4: {  	s9 =	sadd.s32 $0x880, s9  }
0xe5: {  	[hbm4b:s9+s4] =	stream.linear.scatter [tilespmem:s30], [sflag:$0xA], $0x2000, $0x38;
	[tilespmem:$0x19E80] =	vst v63  }
0xe6: {  	_ =	swait.ge [sflag:s22], $0x800  }
0xe7: {  	[sflag:s22] =	ssyncset.done $0x0  }
0xe8: {  	s9 =	rddreg [dreg:$0x1f];
	[sflag:s22] =	ssyncadd.s32 $0xFFFFF800  }
0xe9: {  	[hbm4b:s9+s4] =	stream.linear.scatter [tilespmem:s25], [sflag:$0xA], $0x400, $0x38;
	[tilespmem:$0x19E80] =	vst v63  }
0xea: {  	s9 =	sadd.s32 $0x880, s9  }
0xeb: {  	[hbm4b:s9+s4] =	stream.linear.scatter [tilespmem:s28], [sflag:$0xA], $0x400, $0x38;
	[tilespmem:$0x19E80] =	vst v63  }
0xec: {  	_ =	swait.ge [sflag:s0], $0x4000  }
0xed: {  	[sflag:s0] =	ssyncset.done $0x0  }
0xee: {  	[sflag:s0] =	ssyncadd.s32 $0xFFFFC000  }
0xef: {  	_ =	swait.ge [sflag:s0], $0x4000  }
0xf0: {  	[sflag:s0] =	ssyncset.done $0x0  }
0xf1: {  	[sflag:s0] =	ssyncadd.s32 $0xFFFFC000  }
0xf2: {  	_ =	swait.ge [sflag:s0], $0x800  }
0xf3: {  	[sflag:s0] =	ssyncset.done $0x0  }
0xf4: {  	[sflag:s0] =	ssyncadd.s32 $0xFFFFF800  }
0xf5: {  	v6 =	vld [tilespmem:$0x200];
	_ =	sdelay $0x4  }
0xf6: {  	v7 =	vshll.u32 v6, $0x3  }
0xf7: {  	v6 =	vand.u32 $0x7, v6;
	v7 =	vand.u32 $0xFFFFFFC0, v7  }
0xf8: {  	v6 =	vor.u32 v6, v7  }
0xf9: {  	v7 =	vperm.xlane v6, v0;
	_ =	sdelay $0x1  }
0xfa: {  	v7 =	vadd.s32 v4, v7;
	_ =	sdelay $0x4  }
0xfb: {  	[tilespmem:s26], [sflag:$0x1] =	stream.indirect_vreg.gather [hbm4b:s1+s4], $0x80, v7, vm1, $0xb8;
	[tilespmem:$0x19E80] =	vst v63  }
0xfc: {  	s9 =	simm.s32 $0xE80;
	v6 =	vperm.xlane v6, v5  }
0xfd: {  	[tilespmem:s9], [sflag:$0x1] =	stream.indirect_vreg.gather [hbm4b:s5+s4], $0x80, v7, vm1, $0xb8;
	[tilespmem:$0x19E80] =	vst v63  }
0xfe: {  	v6 =	vadd.s32 v4, v6;
	s9 =	simm.s32 $0x1680  }
0xff: {  	[tilespmem:s9], [sflag:$0x1] =	stream.indirect_vreg.gather [hbm4b:s6+s4], $0x80, v7, vm1, $0xb8;
	[tilespmem:$0x19E80] =	vst v63  }
0x100: {  	s9 =	simm.s32 $0x1E80  }
0x101: {  	[tilespmem:s9], [sflag:$0x1] =	stream.indirect_vreg.gather [hbm4b:s7+s4], $0x80, v7, vm1, $0xb8;
	[tilespmem:$0x19E80] =	vst v63  }
0x102: {  	_ = 	snop  }
0x103: {  	[tilespmem:s31], [sflag:$0x1] =	stream.indirect_vreg.gather [hbm4b:s1+s4], $0x80, v6, vm1, $0xb8;
	[tilespmem:$0x19E80] =	vst v63  }
0x104: {  	s9 =	simm.s32 $0x5280  }
0x105: {  	[tilespmem:s9], [sflag:$0x1] =	stream.indirect_vreg.gather [hbm4b:s5+s4], $0x80, v6, vm1, $0xb8;
	[tilespmem:$0x19E80] =	vst v63  }
0x106: {  	s9 =	simm.s32 $0x5A80  }
0x107: {  	[tilespmem:s9], [sflag:$0x1] =	stream.indirect_vreg.gather [hbm4b:s6+s4], $0x80, v6, vm1, $0xb8;
	[tilespmem:$0x19E80] =	vst v63  }
0x108: {  	s9 =	simm.s32 $0x6280  }
0x109: {  	[tilespmem:s9], [sflag:$0x1] =	stream.indirect_vreg.gather [hbm4b:s7+s4], $0x80, v6, vm1, $0xb8;
	[tilespmem:$0x19E80] =	vst v63  }
0x10a: {  	v6 =	vld [tilespmem:$0x400];
	_ =	sdelay $0x4  }
0x10b: {  	v7 =	vshll.u32 v6, $0x3  }
0x10c: {  	v6 =	vand.u32 $0x7, v6;
	v7 =	vand.u32 $0xFFFFFFC0, v7  }
0x10d: {  	v6 =	vor.u32 v6, v7  }
0x10e: {  	v7 =	vperm.xlane v6, v0;
	_ =	sdelay $0x1  }
0x10f: {  	v7 =	vadd.s32 v4, v7;
	_ =	sdelay $0x4  }
0x110: {  	[tilespmem:s24], [sflag:$0x2] =	stream.indirect_vreg.gather [hbm4b:s1+s4], $0x80, v7, vm1, $0xb8;
	[tilespmem:$0x19E80] =	vst v63  }
0x111: {  	s9 =	simm.s32 $0x2E80;
	v6 =	vperm.xlane v6, v5  }
0x112: {  	[tilespmem:s9], [sflag:$0x2] =	stream.indirect_vreg.gather [hbm4b:s5+s4], $0x80, v7, vm1, $0xb8;
	[tilespmem:$0x19E80] =	vst v63  }
0x113: {  	v6 =	vadd.s32 v4, v6;
	s9 =	simm.s32 $0x3680  }
0x114: {  	[tilespmem:s9], [sflag:$0x2] =	stream.indirect_vreg.gather [hbm4b:s6+s4], $0x80, v7, vm1, $0xb8;
	[tilespmem:$0x19E80] =	vst v63  }
0x115: {  	s9 =	simm.s32 $0x3E80  }
0x116: {  	[tilespmem:s9], [sflag:$0x2] =	stream.indirect_vreg.gather [hbm4b:s7+s4], $0x80, v7, vm1, $0xb8;
	[tilespmem:$0x19E80] =	vst v63  }
0x117: {  	_ = 	snop  }
0x118: {  	[tilespmem:s30], [sflag:$0x2] =	stream.indirect_vreg.gather [hbm4b:s1+s4], $0x80, v6, vm1, $0xb8;
	[tilespmem:$0x19E80] =	vst v63  }
0x119: {  	s9 =	simm.s32 $0x7280  }
0x11a: {  	[tilespmem:s9], [sflag:$0x2] =	stream.indirect_vreg.gather [hbm4b:s5+s4], $0x80, v6, vm1, $0xb8;
	[tilespmem:$0x19E80] =	vst v63  }
0x11b: {  	s9 =	simm.s32 $0x7A80  }
0x11c: {  	[tilespmem:s9], [sflag:$0x2] =	stream.indirect_vreg.gather [hbm4b:s6+s4], $0x80, v6, vm1, $0xb8;
	[tilespmem:$0x19E80] =	vst v63  }
0x11d: {  	s9 =	simm.s32 $0x8280  }
0x11e: {  	[tilespmem:s9], [sflag:$0x2] =	stream.indirect_vreg.gather [hbm4b:s7+s4], $0x80, v6, vm1, $0xb8;
	[tilespmem:$0x19E80] =	vst v63  }
0x11f: {  	v6 =	vld [tilespmem:$0x600];
	_ =	sdelay $0x4  }
0x120: {  	v7 =	vperm.xlane v6, v0;
	_ =	sdelay $0x1  }
0x121: {  	v6 =	vperm.xlane v6, v5;
	v7 =	vadd.s32 v4, v7;
	_ =	sdelay $0x1  }
0x122: {  	v6 =	vadd.s32 v4, v6;
	_ =	sdelay $0x2  }
0x123: {  	[tilespmem:s25], [sflag:$0x3] =	stream.indirect_vreg.gather [hbm4b:s23+s4], $0x80, v7, vm0, $0xb8;
	[tilespmem:$0x19E80] =	vst v63  }
0x124: {  	_ = 	snop  }
0x125: {  	[tilespmem:s28], [sflag:$0x3] =	stream.indirect_vreg.gather [hbm4b:s23+s4], $0x80, v6, vm0, $0xb8;
	[tilespmem:$0x19E80] =	vst v63  }
0x126: {  	s23 =	simm.s32 $0x4  }
0x127: {  	_ =	swait.ge [sflag:s23], $0x4000  }
0x128: {  	s9 =	sld [smem:$0x7F4]  }
0x129: {  	[sflag:s23] =	ssyncset.done $0x0  }
0x12a: {  	[sflag:s23] =	ssyncadd.s32 $0xFFFFC000;
	s23 =	simm.s32 $0x8E80  }
0x12b: {  	[hbm4b:s9+s4] =	stream.linear.scatter [tilespmem:s23], [sflag:$0xB], $0x2000, $0x38;
	[tilespmem:$0x19E80] =	vst v63  }
0x12c: {  	s9 =	sadd.s32 $0x880, s9;
	s23 =	simm.s32 $0x5  }
0x12d: {  	[hbm4b:s9+s4] =	stream.linear.scatter [tilespmem:s2], [sflag:$0xB], $0x2000, $0x38;
	[tilespmem:$0x19E80] =	vst v63  }
0x12e: {  	_ =	swait.ge [sflag:s23], $0x4000  }
0x12f: {  	s2 =	sld [smem:$0x7F5]  }
0x130: {  	[sflag:s23] =	ssyncset.done $0x0  }
0x131: {  	[sflag:s23] =	ssyncadd.s32 $0xFFFFC000  }
0x132: {  	[hbm4b:s2+s4] =	stream.linear.scatter [tilespmem:s3], [sflag:$0xB], $0x2000, $0x38;
	[tilespmem:$0x19E80] =	vst v63  }
0x133: {  	s23 =	simm.s32 $0x6;
	s9 =	sadd.s32 $0x880, s2  }
0x134: {  	[hbm4b:s9+s4] =	stream.linear.scatter [tilespmem:s8], [sflag:$0xB], $0x2000, $0x38;
	[tilespmem:$0x19E80] =	vst v63  }
0x135: {  	_ =	swait.ge [sflag:s23], $0x800  }
0x136: {  	s2 =	sld [smem:$0x7F6]  }
0x137: {  	[sflag:s23] =	ssyncset.done $0x0  }
0x138: {  	[sflag:s23] =	ssyncadd.s32 $0xFFFFF800  }
0x139: {  	[hbm4b:s2+s4] =	stream.linear.scatter [tilespmem:s11], [sflag:$0xB], $0x400, $0x38;
	[tilespmem:$0x19E80] =	vst v63  }
0x13a: {  	s23 =	simm.s32 $0x7;
	s9 =	sadd.s32 $0x880, s2  }
0x13b: {  	[hbm4b:s9+s4] =	stream.linear.scatter [tilespmem:s12], [sflag:$0xB], $0x400, $0x38;
	[tilespmem:$0x19E80] =	vst v63  }
0x13c: {  	_ =	swait.ge [sflag:s23], $0x4000  }
0x13d: {  	s2 =	sld [smem:$0x7F7]  }
0x13e: {  	[sflag:s23] =	ssyncset.done $0x0  }
0x13f: {  	[sflag:s23] =	ssyncadd.s32 $0xFFFFC000  }
0x140: {  	[hbm4b:s2+s4] =	stream.linear.scatter [tilespmem:s13], [sflag:$0xC], $0x2000, $0x38;
	[tilespmem:$0x19E80] =	vst v63  }
0x141: {  	s23 =	simm.s32 $0x8;
	s9 =	sadd.s32 $0x880, s2  }
0x142: {  	[hbm4b:s9+s4] =	stream.linear.scatter [tilespmem:s14], [sflag:$0xC], $0x2000, $0x38;
	[tilespmem:$0x19E80] =	vst v63  }
0x143: {  	_ =	swait.ge [sflag:s23], $0x4000  }
0x144: {  	s2 =	sld [smem:$0x7F8]  }
0x145: {  	[sflag:s23] =	ssyncset.done $0x0  }
0x146: {  	[sflag:s23] =	ssyncadd.s32 $0xFFFFC000  }
0x147: {  	[hbm4b:s2+s4] =	stream.linear.scatter [tilespmem:s15], [sflag:$0xC], $0x2000, $0x38;
	[tilespmem:$0x19E80] =	vst v63  }
0x148: {  	s9 =	sadd.s32 $0x880, s2  }
0x149: {  	[hbm4b:s9+s4] =	stream.linear.scatter [tilespmem:s16], [sflag:$0xC], $0x2000, $0x38;
	[tilespmem:$0x19E80] =	vst v63  }
0x14a: {  	s9 =	simm.s32 $0x9  }
0x14b: {  	_ =	swait.ge [sflag:s9], $0x800  }
0x14c: {  	s23 =	sld [smem:$0x7F9]  }
0x14d: {  	[sflag:s9] =	ssyncset.done $0x0  }
0x14e: {  	[sflag:s9] =	ssyncadd.s32 $0xFFFFF800  }
0x14f: {  	[hbm4b:s23+s4] =	stream.linear.scatter [tilespmem:s10], [sflag:$0xC], $0x400, $0x38;
	[tilespmem:$0x19E80] =	vst v63  }
0x150: {  	s9 =	sadd.s32 $0x880, s23  }
0x151: {  	[hbm4b:s9+s4] =	stream.linear.scatter [tilespmem:s17], [sflag:$0xC], $0x400, $0x38;
	[tilespmem:$0x19E80] =	vst v63  }
0x152: {  	_ =	swait.ge [sflag:s18], $0x4000  }
0x153: {  	s2 =	sld [smem:$0x7FA]  }
0x154: {  	[sflag:s18] =	ssyncset.done $0x0  }
0x155: {  	[sflag:s18] =	ssyncadd.s32 $0xFFFFC000  }
0x156: {  	[hbm4b:s2+s4] =	stream.linear.scatter [tilespmem:s26], [sflag:$0xA], $0x2000, $0x38;
	[tilespmem:$0x19E80] =	vst v63  }
0x157: {  	s9 =	sadd.s32 $0x880, s2  }
0x158: {  	[hbm4b:s9+s4] =	stream.linear.scatter [tilespmem:s31], [sflag:$0xA], $0x2000, $0x38;
	[tilespmem:$0x19E80] =	vst v63  }
0x159: {  	_ =	swait.ge [sflag:s19], $0x4000  }
0x15a: {  	s10 =	sld [smem:$0x7FB]  }
0x15b: {  	[sflag:s19] =	ssyncset.done $0x0  }
0x15c: {  	[sflag:s19] =	ssyncadd.s32 $0xFFFFC000  }
0x15d: {  	[hbm4b:s10+s4] =	stream.linear.scatter [tilespmem:s24], [sflag:$0xA], $0x2000, $0x38;
	[tilespmem:$0x19E80] =	vst v63  }
0x15e: {  	s9 =	sadd.s32 $0x880, s10  }
0x15f: {  	[hbm4b:s9+s4] =	stream.linear.scatter [tilespmem:s30], [sflag:$0xA], $0x2000, $0x38;
	[tilespmem:$0x19E80] =	vst v63  }
0x160: {  	_ =	swait.ge [sflag:s22], $0x800  }
0x161: {  	s23 =	sld [smem:$0x7FD]  }
0x162: {  	[sflag:s22] =	ssyncset.done $0x0  }
0x163: {  	[sflag:s22] =	ssyncadd.s32 $0xFFFFF800  }
0x164: {  	[hbm4b:s23+s4] =	stream.linear.scatter [tilespmem:s25], [sflag:$0xA], $0x400, $0x38;
	[tilespmem:$0x19E80] =	vst v63  }
0x165: {  	s9 =	sadd.s32 $0x880, s23  }
0x166: {  	[hbm4b:s9+s4] =	stream.linear.scatter [tilespmem:s28], [sflag:$0xA], $0x400, $0x38;
	[tilespmem:$0x19E80] =	vst v63  }
0x167: {  	_ =	swait.ge [sflag:s0], $0x4000  }
0x168: {  	[sflag:s0] =	ssyncset.done $0x0  }
0x169: {  	[sflag:s0] =	ssyncadd.s32 $0xFFFFC000  }
0x16a: {  	_ =	swait.ge [sflag:s0], $0x4000  }
0x16b: {  	[sflag:s0] =	ssyncset.done $0x0  }
0x16c: {  	[sflag:s0] =	ssyncadd.s32 $0xFFFFC000  }
0x16d: {  	_ =	swait.ge [sflag:s0], $0x800  }
0x16e: {  	[sflag:s0] =	ssyncset.done $0x0  }
0x16f: {  	[sflag:s0] =	ssyncadd.s32 $0xFFFFF800  }
0x170: {  	_ =	swait.ge [sflag:s29], $0x4000  }
0x171: {  	[sflag:s29] =	ssyncset.done $0x0  }
0x172: {  	[sflag:s29] =	ssyncadd.s32 $0xFFFFC000  }
0x173: {  	_ =	swait.ge [sflag:s29], $0x4000  }
0x174: {  	[sflag:s29] =	ssyncset.done $0x0  }
0x175: {  	[sflag:s29] =	ssyncadd.s32 $0xFFFFC000  }
0x176: {  	_ =	swait.ge [sflag:s29], $0x800  }
0x177: {  	[sflag:s29] =	ssyncset.done $0x0  }
0x178: {  	[sflag:s29] =	ssyncadd.s32 $0xFFFFF800  }
0x179: {  	_ =	swait.ge [sflag:s21], $0x4000  }
0x17a: {  	[sflag:s21] =	ssyncset.done $0x0  }
0x17b: {  	[sflag:s21] =	ssyncadd.s32 $0xFFFFC000  }
0x17c: {  	p0 =	sne.s32 s20, $0x1;
	_ =	swait.ge [sflag:s21], $0x4000  }
.Ltmp0:
0x17d: {  	[sflag:s21] =	ssyncset.done $0x0;
	(pc) =	sbr.rel @p0 .LBB2_1-.Ltmp0, $4  }
0x17e: {  	[sflag:s21] =	ssyncadd.s32 $0xFFFFC000  }
0x17f: {  	_ =	swait.ge [sflag:s21], $0x800  }
0x180: {  	[sflag:s21] =	ssyncset.done $0x0  }
0x181: {  	s20 =	sadd.s32 $0xFFFFFFFF, s20;
	[sflag:s21] =	ssyncadd.s32 $0xFFFFF800  }
0x182: {  	_ =	sfence.sel $0x180000  }
0x183: {  	[bflag:$0x0] =	sbarrier.arrive $0xFFFF  }
0x184: {  	_ =	strace $0x90000047  }
0x185: {  	s0 =	stileid.u32;
	[bflag:$0x2] =	sbarrier.arrive $0xFFFF  }
0x186: {  	p0 =	sne.s32 s0, $0x0;
	s0 =	rddreg [dreg:$0x4]  }
0x187: {  	s0 =	sadd.s32 @!p0 $0x100000, s0  }
0x188: {  	[sflag:s0] =	ssyncadd.tile.s32 @!p0 $0x1;
	_ =	shalt  }
.Lfunc_end2:
_tile_overlayer_lowered:
.L_overlay_start_2:
0x189: {  	(tag) =	ssettag $0x2  }
0x18a: {  	s0 =	rddreg [dreg:$0x0];
	s2 =	stileid.u32  }
0x18b: {  	s1 =	rddreg [dreg:$0x1];
	p0 =	sne.s32 s2, $0x0  }
0x18c: {  	s3 =	rddreg [dreg:$0x2];
	[bflag:$0x3] =	sbarrier.arrive $0xFFFF;
	s2 =	simm.s32 @!p0 $0x1C0D  }
0x18d: {  	[timem:s3], [sflag:s2] =	dma.local @!p0 [hbm:s0], s1  }
0x18e: {  	s0 =	simm.s32 @!p0 $0xD  }
0x18f: {  	_ =	swait.ge @!p0 [sflag:s0], s1  }
0x190: {  	s1 =	ssub.s32 @!p0 $0x0, s1;
	[sflag:s0] =	ssyncset.done @!p0 $0x0  }
0x191: {  	[sflag:s0] =	ssyncadd.s32 @!p0 s1  }
0x192: {  	[bflag:$0x3] =	sbarrier.arrive $0xFFFF  }
0x193: {  	_ =	shalt  }

</sc_bundles>
